<compile_context>
chip_gen: v7x
topology: tpu7x:2x2x1
jax: 0.10.2.dev20260603
libtpu: 0.0.44.dev20260713+nightly
codegen_flags: <defaults>
</compile_context>

<pallas_src>
import functools

import jax
import jax.numpy as jnp
from jax import lax
from jax.experimental import pallas as pl
from jax.experimental.pallas import tpu as pltpu
from jax.experimental.pallas import tpu_sc as plsc

VOCAB = 8192
EMBED = 256
ACT = 512
N = 16 * 576
TT = 256
NT = N // TT

NC, NS = 2, 16
NW = NC * NS
RPW = N // NW
CH = 96
NCH = RPW // CH

_gather_mesh = plsc.VectorSubcoreMesh(core_axis_name="c", subcore_axis_name="s")


@functools.partial(
    pl.kernel,
    mesh=_gather_mesh,
    out_type=jax.ShapeDtypeStruct((N, EMBED), jnp.float32),
    scratch_types=[
        pltpu.VMEM((NCH, CH), jnp.int32),
        pltpu.VMEM((CH, EMBED), jnp.float32),
        pltpu.SemaphoreType.DMA,
    ],
)
def _gather_zq(tok_hbm, emb_hbm, zq_hbm, idx_v, buf, sem):
    wid = lax.axis_index("s") * NC + lax.axis_index("c")
    base = wid * RPW
    for c in range(NCH):
        pltpu.sync_copy(tok_hbm.at[pl.ds(base + c * CH, CH)], idx_v.at[c])
    for c in range(NCH):
        pltpu.async_copy(emb_hbm.at[idx_v.at[c]], buf, sem).wait()
        pltpu.sync_copy(buf, zq_hbm.at[pl.ds(base + c * CH, CH)])


def kernel(x, embedding, W_enc, b_enc, W_dec, b_dec):
    z = jnp.einsum('bla,ae->ble', x, W_enc) + b_enc
    b, l, e = z.shape
    z_flat = z.reshape(b * l, e)
    dist = (jnp.sum(z_flat ** 2, axis=1, keepdims=True)
            + jnp.sum(embedding ** 2, axis=1)
            - 2.0 * z_flat @ embedding.T)
    tokens = jnp.argmin(dist, axis=-1)
    z_q = jnp.take(embedding, tokens, axis=0).reshape(b, l, e)
    decoder_input = z + jax.lax.stop_gradient(z_q - z)
    reconstructions = jnp.einsum('ble,ea->bla', decoder_input, W_dec) + b_dec

    zq_sc = _gather_zq(tokens.reshape(-1).astype(jnp.int32), embedding)
    return (z, zq_sc.reshape(b, l, e), reconstructions)

# --- scband reference (transcript-rebuilt; emitter-appended) ---
"""Pipeline reference for scband-tokenizer-5282809774843 (READ-ONLY COPY).

The authoritative reference and input builder live on the scoring server;
editing this copy changes nothing except your own understanding.
"""

import jax, jax.numpy as jnp
import numpy as np

VOCAB = 8192
EMBED = 256
ACT = 512
B, L = 16, 576


def setup_inputs(seed: int = 0) -> dict:
    key = jax.random.key(seed)
    k_x, k_emb, k_we, k_wd = jax.random.split(key, 4)
    x = jax.random.normal(k_x, (B, L, ACT), dtype=jnp.float32)
    # match torch init: uniform(-1/vocab, 1/vocab)
    embedding = jax.random.uniform(k_emb, (VOCAB, EMBED), dtype=jnp.float32,
                                   minval=-1.0 / VOCAB, maxval=1.0 / VOCAB)
    W_enc = jax.random.normal(k_we, (ACT, EMBED), dtype=jnp.float32) * (1.0 / np.sqrt(ACT))
    b_enc = jnp.zeros((EMBED,), dtype=jnp.float32)
    W_dec = jax.random.normal(k_wd, (EMBED, ACT), dtype=jnp.float32) * (1.0 / np.sqrt(EMBED))
    b_dec = jnp.zeros((ACT,), dtype=jnp.float32)
    return {"x": x, "embedding": embedding, "W_enc": W_enc, "b_enc": b_enc,
            "W_dec": W_dec, "b_dec": b_dec}


def reference(x, embedding, W_enc, b_enc, W_dec, b_dec):
    # encode: encoder is a linear projection stub returning (z, _)
    z = jnp.einsum('bla,ae->ble', x, W_enc) + b_enc  # [B, L, E]
    b, l, e = z.shape
    z_flat = z.reshape(b * l, e)
    # dist_to_embeddings = |z|^2 + |emb|^2 - 2 z . emb^T
    dist = (jnp.sum(z_flat ** 2, axis=1, keepdims=True)
            + jnp.sum(embedding ** 2, axis=1)
            - 2.0 * z_flat @ embedding.T)  # [B*L, VOCAB]
    tokens = jnp.argmin(dist, axis=-1)  # [B*L]
    z_q = jnp.take(embedding, tokens, axis=0).reshape(b, l, e)
    tokens = tokens.reshape(b, l)
    # straight-through estimator
    decoder_input = z + jax.lax.stop_gradient(z_q - z)
    # decode: decoder is a linear projection stub returning (rec, _)
    reconstructions = jnp.einsum('ble,ea->bla', decoder_input, W_dec) + b_dec
    return (z, z_q, reconstructions)

if __name__ == "__main__":
    import jax
    _d = setup_inputs()
    print(jax.jit(kernel)(*tuple(_d.values())))

</pallas_src>

<mosaic_0001>
#map = affine_map<(d0, d1) -> (0)>
#map1 = affine_map<(d0, d1) -> (0, 0)>
module attributes {stable_mosaic.version = 14 : i64} {
  func.func @_gather_zq(%arg0: i32, %arg1: i32, %arg2: memref<9216xi32, #tpu.memory_space<hbm>>, %arg3: memref<8192x256xf32, #tpu.memory_space<hbm>>, %arg4: memref<9216x256xf32, #tpu.memory_space<hbm>>, %arg5: memref<3x96xi32, #tpu.memory_space<vmem>>, %arg6: memref<96x256xf32, #tpu.memory_space<vmem>>, %arg7: memref<!tpu.dma_semaphore, #tpu.memory_space<semaphore_mem>>) attributes {dimension_semantics = [#tpu.dimension_semantics<core_parallel>, #tpu.dimension_semantics<subcore_parallel>], iteration_bounds = array<i64: 2, 16>, scalar_prefetch = 0 : i64, scratch_operands = 3 : i64, tpu.core_type = #tpu.core_type<sc_vector_subcore>, window_params = [{transform_indices = #map}, {transform_indices = #map1}, {transform_indices = #map1}]} {
    %mul3A = arith.constant 2 : i32
    %mul3A_0 = arith.muli %arg1, %mul3A : i32
    %add3A = arith.addi %mul3A_0, %arg0 : i32
    %mul3A_1 = arith.constant 288 : i32
    %mul3A_2 = arith.muli %add3A, %mul3A_1 : i32
    %add3A_3 = arith.constant 0 : i32
    %add3A_4 = arith.addi %mul3A_2, %add3A_3 : i32
    %run_scoped3A = arith.constant 0 : i32
    "tpu.region"() ({
      %run_scoped3A_57 = tpu.sem_alloc : memref<!tpu.dma_semaphore, #tpu.memory_space<semaphore_mem>>
      %dma_start3A_58 = arith.constant 0 : i32
      %dma_start3A_59 = tpu.memref_slice %arg5[%run_scoped3A, %dma_start3A_58] : memref<3x96xi32, #tpu.memory_space<vmem>> -> memref<1x96xi32, #tpu.memory_space<vmem>>
      %dma_start3A_60 = tpu.memref_squeeze %dma_start3A_59 : memref<1x96xi32, #tpu.memory_space<vmem>> -> memref<96xi32, #tpu.memory_space<vmem>>
      %dma_start3A_61 = tpu.memref_slice %arg2[%add3A_4] : memref<9216xi32, #tpu.memory_space<hbm>> -> memref<96xi32, #tpu.memory_space<hbm>>
      %dma_start3A_62 = arith.constant 0 : i32
      %dma_start3A_63 = tpu.memref_slice %arg5[%run_scoped3A, %dma_start3A_62] : memref<3x96xi32, #tpu.memory_space<vmem>> -> memref<1x96xi32, #tpu.memory_space<vmem>>
      %dma_start3A_64 = tpu.memref_squeeze %dma_start3A_63 : memref<1x96xi32, #tpu.memory_space<vmem>> -> memref<96xi32, #tpu.memory_space<vmem>>
      %dma_start3A_65 = tpu.memref_slice %arg2[%add3A_4] : memref<9216xi32, #tpu.memory_space<hbm>> -> memref<96xi32, #tpu.memory_space<hbm>>
      tpu.enqueue_dma source(%dma_start3A_65 : memref<96xi32, #tpu.memory_space<hbm>>) target(%dma_start3A_64 : memref<96xi32, #tpu.memory_space<vmem>>) target_semaphore(%run_scoped3A_57 : memref<!tpu.dma_semaphore, #tpu.memory_space<semaphore_mem>>)
      %dma_wait3A_66 = arith.constant 0 : i32
      %dma_wait3A_67 = tpu.memref_slice %arg5[%run_scoped3A, %dma_wait3A_66] : memref<3x96xi32, #tpu.memory_space<vmem>> -> memref<1x96xi32, #tpu.memory_space<vmem>>
      %dma_wait3A_68 = tpu.memref_squeeze %dma_wait3A_67 : memref<1x96xi32, #tpu.memory_space<vmem>> -> memref<96xi32, #tpu.memory_space<vmem>>
      %dma_wait3A_69 = tpu.memref_slice %arg2[%add3A_4] : memref<9216xi32, #tpu.memory_space<hbm>> -> memref<96xi32, #tpu.memory_space<hbm>>
      %dma_wait3A_70 = arith.constant 0 : i32
      %dma_wait3A_71 = tpu.memref_slice %arg5[%run_scoped3A, %dma_wait3A_70] : memref<3x96xi32, #tpu.memory_space<vmem>> -> memref<1x96xi32, #tpu.memory_space<vmem>>
      %dma_wait3A_72 = tpu.memref_squeeze %dma_wait3A_71 : memref<1x96xi32, #tpu.memory_space<vmem>> -> memref<96xi32, #tpu.memory_space<vmem>>
      %dma_wait3A_73 = tpu.memref_slice %arg2[%add3A_4] : memref<9216xi32, #tpu.memory_space<hbm>> -> memref<96xi32, #tpu.memory_space<hbm>>
      tpu.wait_dma2 semaphore(%run_scoped3A_57 : memref<!tpu.dma_semaphore, #tpu.memory_space<semaphore_mem>>) src(%dma_wait3A_73 : memref<96xi32, #tpu.memory_space<hbm>>) dst(%dma_wait3A_72 : memref<96xi32, #tpu.memory_space<vmem>>)
      tpu.yield
    }) : () -> ()
    %add3A_5 = arith.constant 96 : i32
    %add3A_6 = arith.addi %mul3A_2, %add3A_5 : i32
    %run_scoped3A_7 = arith.constant 1 : i32
    "tpu.region"() ({
      %run_scoped3A_57 = tpu.sem_alloc : memref<!tpu.dma_semaphore, #tpu.memory_space<semaphore_mem>>
      %dma_start3A_58 = arith.constant 0 : i32
      %dma_start3A_59 = tpu.memref_slice %arg5[%run_scoped3A_7, %dma_start3A_58] : memref<3x96xi32, #tpu.memory_space<vmem>> -> memref<1x96xi32, #tpu.memory_space<vmem>>
      %dma_start3A_60 = tpu.memref_squeeze %dma_start3A_59 : memref<1x96xi32, #tpu.memory_space<vmem>> -> memref<96xi32, #tpu.memory_space<vmem>>
      %dma_start3A_61 = tpu.memref_slice %arg2[%add3A_6] : memref<9216xi32, #tpu.memory_space<hbm>> -> memref<96xi32, #tpu.memory_space<hbm>>
      %dma_start3A_62 = arith.constant 0 : i32
      %dma_start3A_63 = tpu.memref_slice %arg5[%run_scoped3A_7, %dma_start3A_62] : memref<3x96xi32, #tpu.memory_space<vmem>> -> memref<1x96xi32, #tpu.memory_space<vmem>>
      %dma_start3A_64 = tpu.memref_squeeze %dma_start3A_63 : memref<1x96xi32, #tpu.memory_space<vmem>> -> memref<96xi32, #tpu.memory_space<vmem>>
      %dma_start3A_65 = tpu.memref_slice %arg2[%add3A_6] : memref<9216xi32, #tpu.memory_space<hbm>> -> memref<96xi32, #tpu.memory_space<hbm>>
      tpu.enqueue_dma source(%dma_start3A_65 : memref<96xi32, #tpu.memory_space<hbm>>) target(%dma_start3A_64 : memref<96xi32, #tpu.memory_space<vmem>>) target_semaphore(%run_scoped3A_57 : memref<!tpu.dma_semaphore, #tpu.memory_space<semaphore_mem>>)
      %dma_wait3A_66 = arith.constant 0 : i32
      %dma_wait3A_67 = tpu.memref_slice %arg5[%run_scoped3A_7, %dma_wait3A_66] : memref<3x96xi32, #tpu.memory_space<vmem>> -> memref<1x96xi32, #tpu.memory_space<vmem>>
      %dma_wait3A_68 = tpu.memref_squeeze %dma_wait3A_67 : memref<1x96xi32, #tpu.memory_space<vmem>> -> memref<96xi32, #tpu.memory_space<vmem>>
      %dma_wait3A_69 = tpu.memref_slice %arg2[%add3A_6] : memref<9216xi32, #tpu.memory_space<hbm>> -> memref<96xi32, #tpu.memory_space<hbm>>
      %dma_wait3A_70 = arith.constant 0 : i32
      %dma_wait3A_71 = tpu.memref_slice %arg5[%run_scoped3A_7, %dma_wait3A_70] : memref<3x96xi32, #tpu.memory_space<vmem>> -> memref<1x96xi32, #tpu.memory_space<vmem>>
      %dma_wait3A_72 = tpu.memref_squeeze %dma_wait3A_71 : memref<1x96xi32, #tpu.memory_space<vmem>> -> memref<96xi32, #tpu.memory_space<vmem>>
      %dma_wait3A_73 = tpu.memref_slice %arg2[%add3A_6] : memref<9216xi32, #tpu.memory_space<hbm>> -> memref<96xi32, #tpu.memory_space<hbm>>
      tpu.wait_dma2 semaphore(%run_scoped3A_57 : memref<!tpu.dma_semaphore, #tpu.memory_space<semaphore_mem>>) src(%dma_wait3A_73 : memref<96xi32, #tpu.memory_space<hbm>>) dst(%dma_wait3A_72 : memref<96xi32, #tpu.memory_space<vmem>>)
      tpu.yield
    }) : () -> ()
    %add3A_8 = arith.constant 192 : i32
    %add3A_9 = arith.addi %mul3A_2, %add3A_8 : i32
    %run_scoped3A_10 = arith.constant 2 : i32
    "tpu.region"() ({
      %run_scoped3A_57 = tpu.sem_alloc : memref<!tpu.dma_semaphore, #tpu.memory_space<semaphore_mem>>
      %dma_start3A_58 = arith.constant 0 : i32
      %dma_start3A_59 = tpu.memref_slice %arg5[%run_scoped3A_10, %dma_start3A_58] : memref<3x96xi32, #tpu.memory_space<vmem>> -> memref<1x96xi32, #tpu.memory_space<vmem>>
      %dma_start3A_60 = tpu.memref_squeeze %dma_start3A_59 : memref<1x96xi32, #tpu.memory_space<vmem>> -> memref<96xi32, #tpu.memory_space<vmem>>
      %dma_start3A_61 = tpu.memref_slice %arg2[%add3A_9] : memref<9216xi32, #tpu.memory_space<hbm>> -> memref<96xi32, #tpu.memory_space<hbm>>
      %dma_start3A_62 = arith.constant 0 : i32
      %dma_start3A_63 = tpu.memref_slice %arg5[%run_scoped3A_10, %dma_start3A_62] : memref<3x96xi32, #tpu.memory_space<vmem>> -> memref<1x96xi32, #tpu.memory_space<vmem>>
      %dma_start3A_64 = tpu.memref_squeeze %dma_start3A_63 : memref<1x96xi32, #tpu.memory_space<vmem>> -> memref<96xi32, #tpu.memory_space<vmem>>
      %dma_start3A_65 = tpu.memref_slice %arg2[%add3A_9] : memref<9216xi32, #tpu.memory_space<hbm>> -> memref<96xi32, #tpu.memory_space<hbm>>
      tpu.enqueue_dma source(%dma_start3A_65 : memref<96xi32, #tpu.memory_space<hbm>>) target(%dma_start3A_64 : memref<96xi32, #tpu.memory_space<vmem>>) target_semaphore(%run_scoped3A_57 : memref<!tpu.dma_semaphore, #tpu.memory_space<semaphore_mem>>)
      %dma_wait3A_66 = arith.constant 0 : i32
      %dma_wait3A_67 = tpu.memref_slice %arg5[%run_scoped3A_10, %dma_wait3A_66] : memref<3x96xi32, #tpu.memory_space<vmem>> -> memref<1x96xi32, #tpu.memory_space<vmem>>
      %dma_wait3A_68 = tpu.memref_squeeze %dma_wait3A_67 : memref<1x96xi32, #tpu.memory_space<vmem>> -> memref<96xi32, #tpu.memory_space<vmem>>
      %dma_wait3A_69 = tpu.memref_slice %arg2[%add3A_9] : memref<9216xi32, #tpu.memory_space<hbm>> -> memref<96xi32, #tpu.memory_space<hbm>>
      %dma_wait3A_70 = arith.constant 0 : i32
      %dma_wait3A_71 = tpu.memref_slice %arg5[%run_scoped3A_10, %dma_wait3A_70] : memref<3x96xi32, #tpu.memory_space<vmem>> -> memref<1x96xi32, #tpu.memory_space<vmem>>
      %dma_wait3A_72 = tpu.memref_squeeze %dma_wait3A_71 : memref<1x96xi32, #tpu.memory_space<vmem>> -> memref<96xi32, #tpu.memory_space<vmem>>
      %dma_wait3A_73 = tpu.memref_slice %arg2[%add3A_9] : memref<9216xi32, #tpu.memory_space<hbm>> -> memref<96xi32, #tpu.memory_space<hbm>>
      tpu.wait_dma2 semaphore(%run_scoped3A_57 : memref<!tpu.dma_semaphore, #tpu.memory_space<semaphore_mem>>) src(%dma_wait3A_73 : memref<96xi32, #tpu.memory_space<hbm>>) dst(%dma_wait3A_72 : memref<96xi32, #tpu.memory_space<vmem>>)
      tpu.yield
    }) : () -> ()
    %dma_start3A = arith.constant 0 : i32
    %dma_start3A_11 = arith.constant 0 : i32
    %dma_start3A_12 = tpu.memref_slice %arg5[%dma_start3A, %dma_start3A_11] : memref<3x96xi32, #tpu.memory_space<vmem>> -> memref<1x96xi32, #tpu.memory_space<vmem>>
    %dma_start3A_13 = tpu.memref_squeeze %dma_start3A_12 : memref<1x96xi32, #tpu.memory_space<vmem>> -> memref<96xi32, #tpu.memory_space<vmem>>
    %dma_start3A_14 = arith.constant 0 : i32
    %dma_start3A_15 = arith.constant 0 : i32
    %dma_start3A_16 = tpu.memref_slice %arg3[%dma_start3A_14, %dma_start3A_15] : memref<8192x256xf32, #tpu.memory_space<hbm>> -> memref<8192x256xf32, #tpu.memory_space<hbm>>
    tpu.enqueue_indirect_dma source(%dma_start3A_16 : memref<8192x256xf32, #tpu.memory_space<hbm>>) target(%arg6 : memref<96x256xf32, #tpu.memory_space<vmem>>) offsets(%dma_start3A_13 : memref<96xi32, #tpu.memory_space<vmem>>) semaphore(%arg7 : memref<!tpu.dma_semaphore, #tpu.memory_space<semaphore_mem>>)
    %dma_wait3A = arith.constant 0 : i32
    %dma_wait3A_17 = arith.constant 0 : i32
    %dma_wait3A_18 = tpu.memref_slice %arg5[%dma_wait3A, %dma_wait3A_17] : memref<3x96xi32, #tpu.memory_space<vmem>> -> memref<1x96xi32, #tpu.memory_space<vmem>>
    %dma_wait3A_19 = tpu.memref_squeeze %dma_wait3A_18 : memref<1x96xi32, #tpu.memory_space<vmem>> -> memref<96xi32, #tpu.memory_space<vmem>>
    %dma_wait3A_20 = arith.constant 0 : i32
    %dma_wait3A_21 = arith.constant 0 : i32
    %dma_wait3A_22 = tpu.memref_slice %arg3[%dma_wait3A_20, %dma_wait3A_21] : memref<8192x256xf32, #tpu.memory_space<hbm>> -> memref<8192x256xf32, #tpu.memory_space<hbm>>
    tpu.wait_indirect_dma semaphore(%arg7 : memref<!tpu.dma_semaphore, #tpu.memory_space<semaphore_mem>>) src(%dma_wait3A_22 : memref<8192x256xf32, #tpu.memory_space<hbm>>) dst(%arg6 : memref<96x256xf32, #tpu.memory_space<vmem>>)
    %add3A_23 = arith.constant 0 : i32
    %add3A_24 = arith.addi %mul3A_2, %add3A_23 : i32
    "tpu.region"() ({
      %run_scoped3A_57 = tpu.sem_alloc : memref<!tpu.dma_semaphore, #tpu.memory_space<semaphore_mem>>
      %dma_start3A_58 = arith.constant 0 : i32
      %dma_start3A_59 = tpu.memref_slice %arg4[%add3A_24, %dma_start3A_58] : memref<9216x256xf32, #tpu.memory_space<hbm>> -> memref<96x256xf32, #tpu.memory_space<hbm>>
      %dma_start3A_60 = arith.constant 0 : i32
      %dma_start3A_61 = tpu.memref_slice %arg4[%add3A_24, %dma_start3A_60] : memref<9216x256xf32, #tpu.memory_space<hbm>> -> memref<96x256xf32, #tpu.memory_space<hbm>>
      tpu.enqueue_dma source(%arg6 : memref<96x256xf32, #tpu.memory_space<vmem>>) target(%dma_start3A_61 : memref<96x256xf32, #tpu.memory_space<hbm>>) target_semaphore(%run_scoped3A_57 : memref<!tpu.dma_semaphore, #tpu.memory_space<semaphore_mem>>)
      %dma_wait3A_62 = arith.constant 0 : i32
      %dma_wait3A_63 = tpu.memref_slice %arg4[%add3A_24, %dma_wait3A_62] : memref<9216x256xf32, #tpu.memory_space<hbm>> -> memref<96x256xf32, #tpu.memory_space<hbm>>
      %dma_wait3A_64 = arith.constant 0 : i32
      %dma_wait3A_65 = tpu.memref_slice %arg4[%add3A_24, %dma_wait3A_64] : memref<9216x256xf32, #tpu.memory_space<hbm>> -> memref<96x256xf32, #tpu.memory_space<hbm>>
      tpu.wait_dma2 semaphore(%run_scoped3A_57 : memref<!tpu.dma_semaphore, #tpu.memory_space<semaphore_mem>>) src(%arg6 : memref<96x256xf32, #tpu.memory_space<vmem>>) dst(%dma_wait3A_65 : memref<96x256xf32, #tpu.memory_space<hbm>>)
      tpu.yield
    }) : () -> ()
    %dma_start3A_25 = arith.constant 1 : i32
    %dma_start3A_26 = arith.constant 0 : i32
    %dma_start3A_27 = tpu.memref_slice %arg5[%dma_start3A_25, %dma_start3A_26] : memref<3x96xi32, #tpu.memory_space<vmem>> -> memref<1x96xi32, #tpu.memory_space<vmem>>
    %dma_start3A_28 = tpu.memref_squeeze %dma_start3A_27 : memref<1x96xi32, #tpu.memory_space<vmem>> -> memref<96xi32, #tpu.memory_space<vmem>>
    %dma_start3A_29 = arith.constant 0 : i32
    %dma_start3A_30 = arith.constant 0 : i32
    %dma_start3A_31 = tpu.memref_slice %arg3[%dma_start3A_29, %dma_start3A_30] : memref<8192x256xf32, #tpu.memory_space<hbm>> -> memref<8192x256xf32, #tpu.memory_space<hbm>>
    tpu.enqueue_indirect_dma source(%dma_start3A_31 : memref<8192x256xf32, #tpu.memory_space<hbm>>) target(%arg6 : memref<96x256xf32, #tpu.memory_space<vmem>>) offsets(%dma_start3A_28 : memref<96xi32, #tpu.memory_space<vmem>>) semaphore(%arg7 : memref<!tpu.dma_semaphore, #tpu.memory_space<semaphore_mem>>)
    %dma_wait3A_32 = arith.constant 1 : i32
    %dma_wait3A_33 = arith.constant 0 : i32
    %dma_wait3A_34 = tpu.memref_slice %arg5[%dma_wait3A_32, %dma_wait3A_33] : memref<3x96xi32, #tpu.memory_space<vmem>> -> memref<1x96xi32, #tpu.memory_space<vmem>>
    %dma_wait3A_35 = tpu.memref_squeeze %dma_wait3A_34 : memref<1x96xi32, #tpu.memory_space<vmem>> -> memref<96xi32, #tpu.memory_space<vmem>>
    %dma_wait3A_36 = arith.constant 0 : i32
    %dma_wait3A_37 = arith.constant 0 : i32
    %dma_wait3A_38 = tpu.memref_slice %arg3[%dma_wait3A_36, %dma_wait3A_37] : memref<8192x256xf32, #tpu.memory_space<hbm>> -> memref<8192x256xf32, #tpu.memory_space<hbm>>
    tpu.wait_indirect_dma semaphore(%arg7 : memref<!tpu.dma_semaphore, #tpu.memory_space<semaphore_mem>>) src(%dma_wait3A_38 : memref<8192x256xf32, #tpu.memory_space<hbm>>) dst(%arg6 : memref<96x256xf32, #tpu.memory_space<vmem>>)
    %add3A_39 = arith.constant 96 : i32
    %add3A_40 = arith.addi %mul3A_2, %add3A_39 : i32
    "tpu.region"() ({
      %run_scoped3A_57 = tpu.sem_alloc : memref<!tpu.dma_semaphore, #tpu.memory_space<semaphore_mem>>
      %dma_start3A_58 = arith.constant 0 : i32
      %dma_start3A_59 = tpu.memref_slice %arg4[%add3A_40, %dma_start3A_58] : memref<9216x256xf32, #tpu.memory_space<hbm>> -> memref<96x256xf32, #tpu.memory_space<hbm>>
      %dma_start3A_60 = arith.constant 0 : i32
      %dma_start3A_61 = tpu.memref_slice %arg4[%add3A_40, %dma_start3A_60] : memref<9216x256xf32, #tpu.memory_space<hbm>> -> memref<96x256xf32, #tpu.memory_space<hbm>>
      tpu.enqueue_dma source(%arg6 : memref<96x256xf32, #tpu.memory_space<vmem>>) target(%dma_start3A_61 : memref<96x256xf32, #tpu.memory_space<hbm>>) target_semaphore(%run_scoped3A_57 : memref<!tpu.dma_semaphore, #tpu.memory_space<semaphore_mem>>)
      %dma_wait3A_62 = arith.constant 0 : i32
      %dma_wait3A_63 = tpu.memref_slice %arg4[%add3A_40, %dma_wait3A_62] : memref<9216x256xf32, #tpu.memory_space<hbm>> -> memref<96x256xf32, #tpu.memory_space<hbm>>
      %dma_wait3A_64 = arith.constant 0 : i32
      %dma_wait3A_65 = tpu.memref_slice %arg4[%add3A_40, %dma_wait3A_64] : memref<9216x256xf32, #tpu.memory_space<hbm>> -> memref<96x256xf32, #tpu.memory_space<hbm>>
      tpu.wait_dma2 semaphore(%run_scoped3A_57 : memref<!tpu.dma_semaphore, #tpu.memory_space<semaphore_mem>>) src(%arg6 : memref<96x256xf32, #tpu.memory_space<vmem>>) dst(%dma_wait3A_65 : memref<96x256xf32, #tpu.memory_space<hbm>>)
      tpu.yield
    }) : () -> ()
    %dma_start3A_41 = arith.constant 2 : i32
    %dma_start3A_42 = arith.constant 0 : i32
    %dma_start3A_43 = tpu.memref_slice %arg5[%dma_start3A_41, %dma_start3A_42] : memref<3x96xi32, #tpu.memory_space<vmem>> -> memref<1x96xi32, #tpu.memory_space<vmem>>
    %dma_start3A_44 = tpu.memref_squeeze %dma_start3A_43 : memref<1x96xi32, #tpu.memory_space<vmem>> -> memref<96xi32, #tpu.memory_space<vmem>>
    %dma_start3A_45 = arith.constant 0 : i32
    %dma_start3A_46 = arith.constant 0 : i32
    %dma_start3A_47 = tpu.memref_slice %arg3[%dma_start3A_45, %dma_start3A_46] : memref<8192x256xf32, #tpu.memory_space<hbm>> -> memref<8192x256xf32, #tpu.memory_space<hbm>>
    tpu.enqueue_indirect_dma source(%dma_start3A_47 : memref<8192x256xf32, #tpu.memory_space<hbm>>) target(%arg6 : memref<96x256xf32, #tpu.memory_space<vmem>>) offsets(%dma_start3A_44 : memref<96xi32, #tpu.memory_space<vmem>>) semaphore(%arg7 : memref<!tpu.dma_semaphore, #tpu.memory_space<semaphore_mem>>)
    %dma_wait3A_48 = arith.constant 2 : i32
    %dma_wait3A_49 = arith.constant 0 : i32
    %dma_wait3A_50 = tpu.memref_slice %arg5[%dma_wait3A_48, %dma_wait3A_49] : memref<3x96xi32, #tpu.memory_space<vmem>> -> memref<1x96xi32, #tpu.memory_space<vmem>>
    %dma_wait3A_51 = tpu.memref_squeeze %dma_wait3A_50 : memref<1x96xi32, #tpu.memory_space<vmem>> -> memref<96xi32, #tpu.memory_space<vmem>>
    %dma_wait3A_52 = arith.constant 0 : i32
    %dma_wait3A_53 = arith.constant 0 : i32
    %dma_wait3A_54 = tpu.memref_slice %arg3[%dma_wait3A_52, %dma_wait3A_53] : memref<8192x256xf32, #tpu.memory_space<hbm>> -> memref<8192x256xf32, #tpu.memory_space<hbm>>
    tpu.wait_indirect_dma semaphore(%arg7 : memref<!tpu.dma_semaphore, #tpu.memory_space<semaphore_mem>>) src(%dma_wait3A_54 : memref<8192x256xf32, #tpu.memory_space<hbm>>) dst(%arg6 : memref<96x256xf32, #tpu.memory_space<vmem>>)
    %add3A_55 = arith.constant 192 : i32
    %add3A_56 = arith.addi %mul3A_2, %add3A_55 : i32
    "tpu.region"() ({
      %run_scoped3A_57 = tpu.sem_alloc : memref<!tpu.dma_semaphore, #tpu.memory_space<semaphore_mem>>
      %dma_start3A_58 = arith.constant 0 : i32
      %dma_start3A_59 = tpu.memref_slice %arg4[%add3A_56, %dma_start3A_58] : memref<9216x256xf32, #tpu.memory_space<hbm>> -> memref<96x256xf32, #tpu.memory_space<hbm>>
      %dma_start3A_60 = arith.constant 0 : i32
      %dma_start3A_61 = tpu.memref_slice %arg4[%add3A_56, %dma_start3A_60] : memref<9216x256xf32, #tpu.memory_space<hbm>> -> memref<96x256xf32, #tpu.memory_space<hbm>>
      tpu.enqueue_dma source(%arg6 : memref<96x256xf32, #tpu.memory_space<vmem>>) target(%dma_start3A_61 : memref<96x256xf32, #tpu.memory_space<hbm>>) target_semaphore(%run_scoped3A_57 : memref<!tpu.dma_semaphore, #tpu.memory_space<semaphore_mem>>)
      %dma_wait3A_62 = arith.constant 0 : i32
      %dma_wait3A_63 = tpu.memref_slice %arg4[%add3A_56, %dma_wait3A_62] : memref<9216x256xf32, #tpu.memory_space<hbm>> -> memref<96x256xf32, #tpu.memory_space<hbm>>
      %dma_wait3A_64 = arith.constant 0 : i32
      %dma_wait3A_65 = tpu.memref_slice %arg4[%add3A_56, %dma_wait3A_64] : memref<9216x256xf32, #tpu.memory_space<hbm>> -> memref<96x256xf32, #tpu.memory_space<hbm>>
      tpu.wait_dma2 semaphore(%run_scoped3A_57 : memref<!tpu.dma_semaphore, #tpu.memory_space<semaphore_mem>>) src(%arg6 : memref<96x256xf32, #tpu.memory_space<vmem>>) dst(%dma_wait3A_65 : memref<96x256xf32, #tpu.memory_space<hbm>>)
      tpu.yield
    }) : () -> ()
    return
  }
}

</mosaic_0001>

<sc_bundles>
// kernel: gather_offload_async_start
scs
__scs_entry_jumppad:
0x0: {  	(pc) =	sbr.rel $0x88, $3  }
0x1: {  	(tag) =	ssettag $0x0;
	lr =	simm.s32 $0x1  }
0x2: {  	[smem:$0x3F9B] =	sst lr;
	_ =	strace $0xD0000000  }
0x3: {  	_ = 	snop  }
0x4: {  	_ = 	snop  }
0x5: {  	_ = 	snop  }
0x6: {  	_ = 	snop  }
0x7: {  	_ = 	snop  }
__scs_overlays_trampoline_lowered:
0x8: {  	[smem:$0x3FAA] =	sst s0  }
0x9: {  	[smem:$0x3FAB] =	sst s1  }
0xa: {  	[smem:$0x3FAC] =	sst s2  }
0xb: {  	[smem:$0x3FAD] =	sst s3  }
0xc: {  	[smem:$0x3FAE] =	sst s4  }
0xd: {  	[smem:$0x3FAF] =	sst s5  }
0xe: {  	[smem:$0x3FB0] =	sst s6  }
0xf: {  	[smem:$0x3FB1] =	sst s7  }
0x10: {  	[smem:$0x3FB2] =	sst s8  }
0x11: {  	[smem:$0x3FB3] =	sst s9;
	s0 =	simm.s32 @!p0 $0x0  }
0x12: {  	s1 =	sld [smem:$0x3F99];
	s0 =	simm.s32 @p0 $0x1  }
0x13: {  	[smem:$0x3FB4] =	sst s0;
	s0 =	simm.s32 @!p1 $0x0  }
0x14: {  	s2 =	sld [smem:$0x3F98];
	s0 =	simm.s32 @p1 $0x1  }
0x15: {  	[smem:$0x3FB5] =	sst s0;
	s0 =	simm.s32 @!p2 $0x0  }
0x16: {  	s3 =	sld [smem:$0x3FDB];
	s0 =	simm.s32 @p2 $0x1  }
0x17: {  	s4 =	simm.s32 $0x1BF5;
	[smem:$0x3FB7] =	sst s0  }
0x18: {  	s0 =	sld [smem:$0x3F9A];
	_ =	swait.ge [sflag:s4], $0x0  }
0x19: {  	s7 =	sld [smem:$0x3F9B]  }
0x1a: {  	s8 =	sadd.s32 $0xFFFFE003, lr  }
0x1b: {  	s9 =	sadd.s32 $0xFFFFFEF7, lr;
	s5 =	simm.s32 $0xFFFFFFFF;
	p2 =	slt.u32 s8, $0xFFFFF086  }
0x1c: {  	p1 =	slt.u32 s9, $0xF7A;
	s5 =	simm.s32 @!p2 $0x0  }
0x1d: {  	s5 =	simm.s32 @p1 $0x1;
	p0 =	seq.s32 s7, s2  }
0x1e: {  	s7 =	smul.u32 @!p0 $0xF7A, s2;
	p2 =	seq.s32 @!p0 s5, $0x0  }
0x1f: {  	s9 =	smul.u32 $0xF7A, s1;
	s8 =	simm.s32 @!p0 $0x1BF5;
	p2 =	por !p2, p0  }
0x20: {  	[sflag:s8] =	ssyncset.s32 @!p0 $0xFFFFF086;
	s6 =	sadd.s32 @!p0 s3, s7;
	s7 =	simm.s32 @!p0 $0x108  }
0x21: {  	s3 =	sadd.s32 s3, s9;
	s6 =	sadd.s32 @!p0 $0x88, s6;
	s7 =	simm.s32 @p2 $0x1082  }
0x22: {  	[simem:s7], [sflag:s8] =	dma.local @!p0 [hbm:s6], $0xF7A  }
0x23: {  	s9 =	sor.u32 $0xD0000000, s2;
	s6 =	simm.s32 $0x108;
	_ =	swait.ge @!p0 [sflag:s8], $0x0  }
0x24: {  	s3 =	sadd.s32 $0x88, s3;
	s6 =	simm.s32 @!p1 $0x1082;
	[sflag:s4] =	ssyncset.s32 $0xFFFFF086  }
0x25: {  	[simem:s6], [sflag:s4] =	dma.local [hbm:s3], $0xF7A  }
0x26: {  	[smem:$0x3F9B] =	sst s1;
	(tag) =	ssettag s2;
	_ =	strace s9  }
0x27: {  	s1 =	sld [smem:$0x3FAB]  }
0x28: {  	s2 =	sld [smem:$0x3FAC]  }
0x29: {  	s4 =	sld [smem:$0x3FAE]  }
0x2a: {  	p0 =	seq.s32 s5, $0x0;
	s5 =	sld [smem:$0x3FAF]  }
0x2b: {  	s6 =	sld [smem:$0x3FB0]  }
0x2c: {  	s7 =	sld [smem:$0x3FB1]  }
0x2d: {  	s3 =	simm.s32 $0x108;
	s8 =	sld [smem:$0x3FB2]  }
0x2e: {  	s3 =	simm.s32 @!p0 $0x1082;
	s9 =	sld [smem:$0x3FB3]  }
0x2f: {  	lr =	sadd.s32 s0, s3;
	s0 =	sld [smem:$0x3FAA]  }
0x30: {  	s3 =	sld [smem:$0x3FAD]  }
0x31: {  	[smem:$0x3FB6] =	sst s10  }
0x32: {  	s10 =	sld [smem:$0x3FB4];
	_ =	sdelay $0x3  }
0x33: {  	p0 =	seq.s32 s10, $0x1;
	s10 =	sld [smem:$0x3FB6];
	_ =	sdelay $0x3  }
0x34: {  	[smem:$0x3FB6] =	sst s10  }
0x35: {  	s10 =	sld [smem:$0x3FB5];
	_ =	sdelay $0x3  }
0x36: {  	p1 =	seq.s32 s10, $0x1;
	s10 =	sld [smem:$0x3FB6];
	_ =	sdelay $0x3  }
0x37: {  	[smem:$0x3FB6] =	sst s10  }
0x38: {  	s10 =	sld [smem:$0x3FB7]  }
0x39: {  	_ = 	snop;
	(pc) =	sbr.ind lr, $3  }
0x3a: {  	_ = 	snop  }
0x3b: {  	_ = 	snop  }
0x3c: {  	p2 =	seq.s32 s10, $0x1;
	s10 =	sld [smem:$0x3FB6]  }
0x3d: {  	_ =	shalt  }
0x3e: {  	_ =	shalt  }
0x3f: {  	_ =	shalt  }
0x40: {  	_ =	shalt  }
0x41: {  	_ =	shalt  }
0x42: {  	_ =	shalt  }
0x43: {  	_ =	shalt  }
0x44: {  	_ =	shalt  }
0x45: {  	_ =	shalt  }
0x46: {  	_ =	shalt  }
0x47: {  	_ =	shalt  }
0x48: {  	_ =	shalt  }
0x49: {  	_ =	shalt  }
0x4a: {  	_ =	shalt  }
0x4b: {  	_ =	shalt  }
0x4c: {  	_ =	shalt  }
0x4d: {  	_ =	shalt  }
0x4e: {  	_ =	shalt  }
0x4f: {  	_ =	shalt  }
0x50: {  	_ =	shalt  }
0x51: {  	_ =	shalt  }
0x52: {  	_ =	shalt  }
0x53: {  	_ =	shalt  }
0x54: {  	_ =	shalt  }
0x55: {  	_ =	shalt  }
0x56: {  	_ =	shalt  }
0x57: {  	_ =	shalt  }
0x58: {  	_ =	shalt  }
0x59: {  	_ =	shalt  }
0x5a: {  	_ =	shalt  }
0x5b: {  	_ =	shalt  }
0x5c: {  	_ =	shalt  }
0x5d: {  	_ =	shalt  }
0x5e: {  	_ =	shalt  }
0x5f: {  	_ =	shalt  }
0x60: {  	_ =	shalt  }
0x61: {  	_ =	shalt  }
0x62: {  	_ =	shalt  }
0x63: {  	_ =	shalt  }
0x64: {  	_ =	shalt  }
0x65: {  	_ =	shalt  }
0x66: {  	_ =	shalt  }
0x67: {  	_ =	shalt  }
0x68: {  	_ =	shalt  }
0x69: {  	_ =	shalt  }
0x6a: {  	_ =	shalt  }
0x6b: {  	_ =	shalt  }
0x6c: {  	_ =	shalt  }
0x6d: {  	_ =	shalt  }
0x6e: {  	_ =	shalt  }
0x6f: {  	_ =	shalt  }
0x70: {  	_ =	shalt  }
0x71: {  	_ =	shalt  }
0x72: {  	_ =	shalt  }
0x73: {  	_ =	shalt  }
0x74: {  	_ =	shalt  }
0x75: {  	_ =	shalt  }
0x76: {  	_ =	shalt  }
0x77: {  	_ =	shalt  }
0x78: {  	_ =	shalt  }
0x79: {  	_ =	shalt  }
0x7a: {  	_ =	shalt  }
0x7b: {  	_ =	shalt  }
0x7c: {  	_ =	shalt  }
0x7d: {  	_ =	shalt  }
0x7e: {  	_ =	shalt  }
0x7f: {  	_ =	shalt  }
0x80: {  	_ =	shalt  }
0x81: {  	_ =	shalt  }
0x82: {  	_ =	shalt  }
0x83: {  	_ =	shalt  }
0x84: {  	_ =	shalt  }
0x85: {  	_ =	shalt  }
0x86: {  	_ =	shalt  }
0x87: {  	_ =	shalt  }
.Lfunc_end0:
.L_simem_size_0:
called_computation_lowered:
.L_overlay_start_0:
0x88: {  	s2 =	sld [smem:$0x3FD9]  }
0x89: {  	s3 =	sld [smem:$0x3FFE];
	_ =	sdelay $0x1  }
0x8a: {  	s1 =	srdreg.scid  }
0x8b: {  	s0 =	sand.u32 $0x1, s1  }
0x8c: {  	s14 =	sshll.u32 s0, $0xA;
	s2 =	sadd.s32 s3, s2  }
0x8d: {  	s2 =	sadd.s32 s2, s14  }
0x8e: {  	[smem:$0x3FC2] =	sst s2  }
0x8f: {  	_ = 	snop  }
0x90: {  	s2 =	sld [smem:$0x3FD0];
	_ =	sdelay $0x2  }
0x91: {  	s4 =	simm.s32 $0xB;
	s5 =	simm.s32 $0x10;
	s15 =	sld [smem:$0x3FC8]  }
0x92: {  	[smem:s5], [sflag:s4] =	dma.local [hbm:s2], $0x1  }
0x93: {  	_ =	swait.eq [sflag:s4], $0x1  }
0x94: {  	[sflag:s4] =	ssyncset.done $0x0  }
0x95: {  	[sflag:s4] =	ssyncadd.s32 $0xFFFFFFFF  }
0x96: {  	s16 =	sld [smem:$0x12];
	(tm) =	ssettm $0x1  }
0x97: {  	s17 =	sld [smem:$0x3FFB];
	_ =	sdelay $0x3  }
0x98: {  	_ =	strace s17  }
0x99: {  	s4 =	sld [smem:$0x3FFC];
	_ =	sdelay $0x3  }
0x9a: {  	_ =	strace s4  }
0x9b: {  	s4 =	sld [smem:$0x3FFD];
	_ =	sdelay $0x3  }
0x9c: {  	_ =	strace s4  }
0x9d: {  	_ =	strace $0x8FFFFFFF  }
0x9e: {  	s18 =	sld [smem:$0x3FDB];
	_ =	sdelay $0x1  }
0x9f: {  	s19 =	simm.s32 $_scs_section_size  }
0xa0: {  	s6 =	simm.s32 $_size__tile_overlayer_lowered;
	s7 =	simm.s32 $_tile_overlayer_lowered  }
0xa1: {  	s22 =	simm.s32 $0x1BFF;
	s21 =	sshll.u32 s7, $0x1;
	s4 =	sadd.s32 s19, s18  }
0xa2: {  	s8 =	simm.s32 $0x0;
	s20 =	sshll.u32 s6, $0x1;
	s6 =	sadd.s32 s21, s4  }
0xa3: {  	[timem:s8], [sflag:s22] =	dma.local [hbm:s6], s20  }
0xa4: {  	_ =	swait.ge [sflag:s22], s20  }
0xa5: {  	s5 =	ssub.s32 $0x0, s20;
	[sflag:s22] =	ssyncset.done $0x0  }
0xa6: {  	[sflag:s22] =	ssyncadd.s32 s5;
	_ =	sdelay $0x1  }
0xa7: {  	s23 =	simm.s32 $0x1B8B  }
0xa8: {  	_ =	swait.ge [sflag:s23], $0x1  }
0xa9: {  	[sflag:s23] =	ssyncset.done $0x0  }
0xaa: {  	s25 =	simm.s32 $0x1B8E;
	s24 =	sld [smem:$0x3FFE];
	[sflag:s23] =	ssyncadd.s32 $0xFFFFFFFF  }
0xab: {  	s26 =	simm.s32 $execute0_lowered;
	[smem:$0x3FD2] =	sst s25  }
0xac: {  	s6 =	sshll.u32 s26, $0x1;
	_ =	strace $0x80000046;
	[dreg:$0x1] =	wrdreg $0xFFFFFFFF  }
0xad: {  	s28 =	simm.s32 $_size_execute0_lowered;
	s4 =	sadd.s32 s4, s6;
	[dreg:$0x0] =	wrdreg $0x0  }
0xae: {  	s6 =	sshll.u32 s28, $0x1;
	[dreg:$0x2] =	wrdreg s4  }
0xaf: {  	[dreg:$0x3] =	wrdreg s6  }
0xb0: {  	[dreg:$0x4] =	wrdreg $0xC0  }
0xb1: {  	_ =	task [dreg:s8], $0x5FFFF  }
0xb2: {  	[dreg:$0x1] =	wrdreg $0xFFFFFFFF  }
0xb3: {  	[dreg:$0x0] =	wrdreg $0x60  }
0xb4: {  	[dreg:$0x2] =	wrdreg s15  }
0xb5: {  	[dreg:$0x3] =	wrdreg s16  }
0xb6: {  	[dreg:$0x4] =	wrdreg s24  }
0xb7: {  	[dreg:$0x5] =	wrdreg $0x9  }
0xb8: {  	_ =	task.clear_ibuf [dreg:s8], $0x6FFFF;
	_ =	strace $0x90000046  }
0xb9: {  	s29 =	simm.s32 $0x9;
	_ =	strace $0x80000048  }
0xba: {  	_ =	swait.ge [sflag:s29], $0x1  }
0xbb: {  	[sflag:s29] =	ssyncadd.s32 $0xFFFFFFFF  }
0xbc: {  	_ =	strace $0x90000048  }
0xbd: {  	_ =	sfence  }
0xbe: {  	s30 =	sld [smem:$0x0];
	_ =	sdelay $0x2  }
0xbf: {  	s31 =	sshll.u32 s1, $0xD;
	s1 =	sshrl.u32 s1, $0x2  }
0xc0: {  	s3 =	sand.u32 $0x4000, s31;
	s1 =	sadd.s32 s1, s30  }
0xc1: {  	s0 =	sor.u32 s3, s0;
	s1 =	sshll.u32 s1, $0x11  }
0xc2: {  	s0 =	sor.u32 s1, s0  }
0xc3: {  	s0 =	sadd.s32 $0x8F2B, s0  }
0xc4: {  	[sflag:s0] =	ssyncadd.remote.s32 $0x1  }
0xc5: {  	_ =	sfence.sel $0xFFFF  }
0xc6: {  	[dreg:$0x0] =	wrdreg $0xFFFFFFFF;
	(pc) =	sbr.abs _section_cstart, $3  }
0xc7: {  	[dreg:$0x1] =	wrdreg $0xFFFFFFFF  }
0xc8: {  	_ =	task.clear_ibuf [dreg:s8], $0x2FFFF;
	_ =	strace $0x9FFFFFFF  }
0xc9: {  	(tm) =	ssettm $0x7FFFFFFF  }
tec
execute0_lowered:
.L_overlay_start_1:
0x0: {  	(tag) =	ssettag $0x1  }
0x1: {  	s0 =	srdreg.scid  }
0x2: {  	s1 =	sshll.u32 s0, $0x4  }
0x3: {  	s0 =	stileid.u32;
	s1 =	sand.u32 $0x10, s1  }
0x4: {  	s2 =	sor.u32 s0, s1  }
0x5: {  	s3 =	smin.u32 s2, $0x10  }
0x6: {  	s1 =	sshrl.u32 s1, $0x4;
	s2 =	sadd.s32 s2, s3  }
0x7: {  	s1 =	ssub.s32 s2, s1  }
0x8: {  	s1 =	smul.u32 $0xC0, s1;
	_ =	sdelay $0x1  }
0x9: {  	s2 =	smul.u32 $0xC0, s2;
	s1 =	sadd.s32 $0x180, s1  }
0xa: {  	s3 =	smin.u32 s1, $0x2400  }
0xb: {  	s7 =	ssub.s32 s3, s2  }
0xc: {  	p0 =	sgt.s32 s7, $0x0  }
0xd: {  	s4 =	rddreg [dreg:$0x0];
	s7 =	simm.s32 @!p0 $0x0  }
0xe: {  	s5 =	rddreg [dreg:$0x1];
	s31 =	smul.u32 $0xAAAB, s7  }
0xf: {  	s9 =	rddreg [dreg:$0x2]  }
0x10: {  	s6 =	simm.s32 $0x1;
	s11 =	simm.s32 $0x3;
	s8 =	sshrl.u32 s31, $0x17  }
0x11: {  	s13 =	simm.s32 $0x0;
	s12 =	simm.s32 $0x0;
	s10 =	smul.u32 $0xC0, s8  }
.Ltmp0:
0x12: {  	s9 =	sadd.s32 $0x600, s9;
	s1 =	rddreg [dreg:$0x3];
	(pc) =	sbr.rel .LBB2_1-.Ltmp0, $4  }
0x13: {  	_ =	strace $0x80000047;
	p0 =	sne.s32 s7, s10;
	s10 =	simm.s32 $0x1  }
0x14: {  	[sflag:s6] =	ssyncpa.u1 $0x0;
	s7 =	simm.s32 $0x2;
	s10 =	simm.s32 @!p0 $0x0  }
0x15: {  	[sflag:s7] =	ssyncpa.u1 $0x0;
	p0 =	por $0x0, $0x0;
	s8 =	sadd.s32 s8, s10  }
0x16: {  	vm0 =	vmmov $0xff;
	vm1 =	vcmask $0x3F20;
	[sflag:s11] =	ssyncpa.u1 $0x0;
	s11 =	smov.u32 s2;
	s10 =	sadd.s32 $0x1, s8  }
.LBB2_8:
0x17: {  	[hbm:s17] =	stream.linear.scatter [tilespmem:s14], [sflag:$0x3], $0x800, $0x38;
	[tilespmem:$0x18180] =	vst v63  }
.LBB2_9:
0x18: {  	s13 =	sadd.s32 $0xC0, s11  }
0x19: {  	s15 =	smov.u32 s2;
	p2 =	slt.s32 s13, s3  }
0x1a: {  	s15 =	smov.u32 @p2 s13;
	p2 =	sne.s32 s12, s10  }
.Ltmp1:
0x1b: {  	p1 =	slt.u32 s12, $0x2;
	(pc) =	sbr.rel @!p2 .LBB2_10-.Ltmp1, $4  }
0x1c: {  	s14 =	simm.s32 @!p1 $0x3  }
0x1d: {  	s16 =	sadd.s32 $0x1, s12;
	_ =	swait.ge @!p1 [sflag:s14], $0xC000  }
0x1e: {  	p0 =	por !p0, !p0;
	s13 =	smov.u32 s11;
	[sflag:s14] =	ssyncset.done @!p1 $0x0  }
0x1f: {  	s12 =	smov.u32 s16;
	s11 =	smov.u32 s15;
	[sflag:s14] =	ssyncadd.s32 @!p1 $0xFFFF4000  }
.LBB2_1:
0x20: {  	p1 =	sge.u32 s12, s8  }
0x21: {  	s14 =	sxor.u32 @!p1 $0xFFFFFFFF, s12  }
0x22: {  	s14 =	sand.u32 @!p1 $0x1, s14  }
0x23: {  	s14 =	smul.u32 @!p1 $0x300, s14  }
0x24: {  	s31 =	sadd.s32 $0xFFFFFFFF, s12;
	s15 =	sshrl.u32 @!p1 s11, $0x3  }
0x25: {  	s16 =	sand.u32 @!p1 $0x7, s11;
	s15 =	sadd.s32 @!p1 s5, s15;
	s14 =	sshrl.u32 @!p1 s14, $0x2  }
0x26: {  	[tilespmem:s14], [sflag:$0x2] =	stream.linear.gather @!p1 [hbm4b:s15+s16], $0xC0, $0x38;
	[tilespmem:$0x18180] =	vst v63  }
0x27: {  	p1 =	sge.u32 s31, s8  }
.Ltmp2:
0x28: {  	_ = 	snop;
	(pc) =	sbr.rel @p1 .LBB2_9-.Ltmp2, $1  }
0x29: {  	_ =	sdelay $0x3  }
0x2a: {  	s14 =	simm.s32 $0x1;
	s15 =	sand.u32 $0x1, s12  }
0x2b: {  	s14 =	simm.s32 @!p0 $0x0;
	s16 =	smul.u32 $0x30000, s15  }
0x2c: {  	_ =	swait.ge [sflag:s7], $0xC0;
	s14 =	smul.u32 $0x30000, s14  }
0x2d: {  	s17 =	simm.s32 $0x0;
	[sflag:s7] =	ssyncset.done $0x0;
	s15 =	smul.u32 $0x300, s15  }
0x2e: {  	[sflag:s7] =	ssyncadd.s32 $0xFFFFFF40;
	s16 =	sshrl.u32 s16, $0x2;
	s14 =	sshrl.u32 s14, $0x2  }
0x2f: {  	s15 =	sshrl.u32 s15, $0x2;
	s16 =	sor.u32 $0x180, s16;
	s14 =	sor.u32 $0x180, s14  }
.LBB2_3:
0x30: {  	s18 =	sshll.u32 s17, $0x4  }
0x31: {  	s18 =	sand.u32 $0x3FFFFFF0, s18  }
0x32: {  	s18 =	sadd.s32 s18, s15  }
0x33: {  	v0 =	vld.msk [tilespmem:s18+$0x0 ss:$0x1], $0xffff;
	_ =	sdelay $0x4  }
0x34: {  	vm2 =	vgt.s32 v0, $0x0  }
0x35: {  	v0 =	vnsel vm2, $0x0, v0  }
0x36: {  	v0 =	vmin.u32 v0, $0x1FFF  }
0x37: {  	s31 =	sshll.u32 s17, $0xC;
	v1 =	vshll.u32 v0, $0x5;
	v0 =	vshll.u32 v0, $0x4  }
0x38: {  	s18 =	sand.u32 $0x3FFFF000, s31;
	v1 =	vand.u32 $0x3FF00, v1;
	v0 =	vand.u32 $0x70, v0  }
0x39: {  	p1 =	por $0x1, $0x1;
	s19 =	simm.s32 $0x0;
	s18 =	sadd.s32 s18, s16;
	v0 =	vor.u32 v0, v1  }
.LBB2_4:
0x3a: {  	_ =	sdelay $0x1  }
0x3b: {  	s19 =	sshra.s32 s19, $0x2;
	p2 =	por p1, p1  }
.Ltmp3:
0x3c: {  	s19 =	sadd.s32 s19, s18;
	(pc) =	sbr.rel @p2 .LBB2_4-.Ltmp3, $4  }
0x3d: {  	[tilespmem:s19], [sflag:$0x1] =	stream.indirect_vreg.gather [hbm:s4], $0x80, v0, vm0, $0x38;
	[tilespmem:$0x18180] =	vst v63  }
0x3e: {  	s19 =	sadd.s32 $0x800, s19  }
0x3f: {  	[tilespmem:s19], [sflag:$0x1] =	stream.indirect_vreg.gather [hbm:s4], $0x80, v0, vm1, $0x38;
	[tilespmem:$0x18180] =	vst v63  }
0x40: {  	p1 =	por $0x0, $0x0;
	v0 =	vadd.s32 $0x80, v0;
	s19 =	simm.s32 $0x1000  }
0x41: {  	s17 =	sadd.s32 $0x1, s17  }
0x42: {  	p1 =	sne.s32 s17, $0xC  }
.Ltmp4:
0x43: {  	_ = 	snop;
	(pc) =	sbr.rel @p1 .LBB2_3-.Ltmp4, $1  }
0x44: {  	_ =	sdelay $0x3  }
0x45: {  	s15 =	sshll.u32 s13, $0x5  }
0x46: {  	s31 =	sshll.u32 s13, $0x4;
	s15 =	sand.u32 $0xFFFFFF00, s15  }
0x47: {  	_ =	swait.ge [sflag:s6], $0xC000;
	s13 =	sand.u32 $0x70, s31;
	s15 =	sadd.s32 s15, s9  }
0x48: {  	s16 =	sadd.s32 $0x800, s14;
	[sflag:s6] =	ssyncset.done $0x0;
	s13 =	sadd.s32 s13, s15  }
0x49: {  	[sflag:s6] =	ssyncadd.s32 $0xFFFF4000;
	s15 =	simm.s32 $0x100;
	s17 =	sadd.s32 $0x0, s13  }
.LBB2_7:
0x4a: {  	[hbm:s17] =	stream.linear.scatter [tilespmem:s14], [sflag:$0x3], $0x800, $0x38;
	[tilespmem:$0x18180] =	vst v63  }
0x4b: {  	s17 =	smov.u32 s15;
	s14 =	smov.u32 s16;
	p1 =	sne.s32 s15, $0x1700  }
.Ltmp5:
0x4c: {  	s15 =	sadd.s32 $0x100, s15;
	(pc) =	sbr.rel @p1 .LBB2_7-.Ltmp5, $2  }
0x4d: {  	_ =	sdelay $0x2  }
0x4e: {  	s16 =	sadd.s32 $0x800, s16;
	s17 =	sadd.s32 s17, s13  }
.Ltmp6:
0x4f: {  	_ = 	snop;
	(pc) =	sbr.rel .LBB2_8-.Ltmp6, $1  }
0x50: {  	_ =	sdelay $0x3  }
.LBB2_10:
0x51: {  	_ =	sfence.sel $0x180000  }
0x52: {  	s2 =	simm.s32 $0x2;
	[bflag:$0x0] =	sbarrier.arrive $0xFFFF  }
0x53: {  	s30 =	simm.s32 $0x3;
	[sflag:s2] =	ssyncpa.u1 $0x1  }
0x54: {  	s31 =	simm.s32 $0x1;
	[sflag:s30] =	ssyncpa.u1 $0x1  }
0x55: {  	[sflag:s31] =	ssyncpa.u1 $0x1  }
0x56: {  	p0 =	sne.s32 s0, $0x0;
	_ =	strace $0x90000047  }
0x57: {  	s0 =	sadd.s32 @!p0 $0x100000, s1;
	[bflag:$0x2] =	sbarrier.arrive $0xFFFF  }
0x58: {  	[sflag:s0] =	ssyncadd.tile.s32 @!p0 $0x1;
	_ =	shalt  }
.Lfunc_end2:
_tile_overlayer_lowered:
.L_overlay_start_2:
0x59: {  	(tag) =	ssettag $0x2  }
0x5a: {  	s0 =	rddreg [dreg:$0x0];
	s2 =	stileid.u32  }
0x5b: {  	s1 =	rddreg [dreg:$0x1];
	p0 =	sne.s32 s2, $0x0  }
0x5c: {  	s3 =	rddreg [dreg:$0x2];
	[bflag:$0x3] =	sbarrier.arrive $0xFFFF;
	s2 =	simm.s32 @!p0 $0x1C01  }
0x5d: {  	[timem:s3], [sflag:s2] =	dma.local @!p0 [hbm:s0], s1  }
0x5e: {  	s0 =	simm.s32 @!p0 $0x1  }
0x5f: {  	_ =	swait.ge @!p0 [sflag:s0], s1  }
0x60: {  	s1 =	ssub.s32 @!p0 $0x0, s1;
	[sflag:s0] =	ssyncset.done @!p0 $0x0  }
0x61: {  	[sflag:s0] =	ssyncadd.s32 @!p0 s1  }
0x62: {  	[bflag:$0x3] =	sbarrier.arrive $0xFFFF  }
0x63: {  	_ =	shalt  }

// kernel: kernel.3.cloned.1.call-start
scs
__scs_entry_jumppad:
0x0: {  	(pc) =	sbr.rel $0x88, $3  }
0x1: {  	(tag) =	ssettag $0x0;
	lr =	simm.s32 $0x1  }
0x2: {  	[smem:$0x3F9B] =	sst lr;
	_ =	strace $0xD0000000  }
0x3: {  	_ = 	snop  }
0x4: {  	_ = 	snop  }
0x5: {  	_ = 	snop  }
0x6: {  	_ = 	snop  }
0x7: {  	_ = 	snop  }
__scs_overlays_trampoline_lowered:
0x8: {  	[smem:$0x3FAA] =	sst s0  }
0x9: {  	[smem:$0x3FAB] =	sst s1  }
0xa: {  	[smem:$0x3FAC] =	sst s2  }
0xb: {  	[smem:$0x3FAD] =	sst s3  }
0xc: {  	[smem:$0x3FAE] =	sst s4  }
0xd: {  	[smem:$0x3FAF] =	sst s5  }
0xe: {  	[smem:$0x3FB0] =	sst s6  }
0xf: {  	[smem:$0x3FB1] =	sst s7  }
0x10: {  	[smem:$0x3FB2] =	sst s8  }
0x11: {  	[smem:$0x3FB3] =	sst s9;
	s0 =	simm.s32 @!p0 $0x0  }
0x12: {  	s1 =	sld [smem:$0x3F99];
	s0 =	simm.s32 @p0 $0x1  }
0x13: {  	[smem:$0x3FB4] =	sst s0;
	s0 =	simm.s32 @!p1 $0x0  }
0x14: {  	s2 =	sld [smem:$0x3F98];
	s0 =	simm.s32 @p1 $0x1  }
0x15: {  	[smem:$0x3FB5] =	sst s0;
	s0 =	simm.s32 @!p2 $0x0  }
0x16: {  	s3 =	sld [smem:$0x3FDB];
	s0 =	simm.s32 @p2 $0x1  }
0x17: {  	s4 =	simm.s32 $0x1BF5;
	[smem:$0x3FB7] =	sst s0  }
0x18: {  	s0 =	sld [smem:$0x3F9A];
	_ =	swait.ge [sflag:s4], $0x0  }
0x19: {  	s7 =	sld [smem:$0x3F9B]  }
0x1a: {  	s8 =	sadd.s32 $0xFFFFE003, lr  }
0x1b: {  	s9 =	sadd.s32 $0xFFFFFEF7, lr;
	s5 =	simm.s32 $0xFFFFFFFF;
	p2 =	slt.u32 s8, $0xFFFFF086  }
0x1c: {  	p1 =	slt.u32 s9, $0xF7A;
	s5 =	simm.s32 @!p2 $0x0  }
0x1d: {  	s5 =	simm.s32 @p1 $0x1;
	p0 =	seq.s32 s7, s2  }
0x1e: {  	s7 =	smul.u32 @!p0 $0xF7A, s2;
	p2 =	seq.s32 @!p0 s5, $0x0  }
0x1f: {  	s9 =	smul.u32 $0xF7A, s1;
	s8 =	simm.s32 @!p0 $0x1BF5;
	p2 =	por !p2, p0  }
0x20: {  	[sflag:s8] =	ssyncset.s32 @!p0 $0xFFFFF086;
	s6 =	sadd.s32 @!p0 s3, s7;
	s7 =	simm.s32 @!p0 $0x108  }
0x21: {  	s3 =	sadd.s32 s3, s9;
	s6 =	sadd.s32 @!p0 $0x88, s6;
	s7 =	simm.s32 @p2 $0x1082  }
0x22: {  	[simem:s7], [sflag:s8] =	dma.local @!p0 [hbm:s6], $0xF7A  }
0x23: {  	s9 =	sor.u32 $0xD0000000, s2;
	s6 =	simm.s32 $0x108;
	_ =	swait.ge @!p0 [sflag:s8], $0x0  }
0x24: {  	s3 =	sadd.s32 $0x88, s3;
	s6 =	simm.s32 @!p1 $0x1082;
	[sflag:s4] =	ssyncset.s32 $0xFFFFF086  }
0x25: {  	[simem:s6], [sflag:s4] =	dma.local [hbm:s3], $0xF7A  }
0x26: {  	[smem:$0x3F9B] =	sst s1;
	(tag) =	ssettag s2;
	_ =	strace s9  }
0x27: {  	s1 =	sld [smem:$0x3FAB]  }
0x28: {  	s2 =	sld [smem:$0x3FAC]  }
0x29: {  	s4 =	sld [smem:$0x3FAE]  }
0x2a: {  	p0 =	seq.s32 s5, $0x0;
	s5 =	sld [smem:$0x3FAF]  }
0x2b: {  	s6 =	sld [smem:$0x3FB0]  }
0x2c: {  	s7 =	sld [smem:$0x3FB1]  }
0x2d: {  	s3 =	simm.s32 $0x108;
	s8 =	sld [smem:$0x3FB2]  }
0x2e: {  	s3 =	simm.s32 @!p0 $0x1082;
	s9 =	sld [smem:$0x3FB3]  }
0x2f: {  	lr =	sadd.s32 s0, s3;
	s0 =	sld [smem:$0x3FAA]  }
0x30: {  	s3 =	sld [smem:$0x3FAD]  }
0x31: {  	[smem:$0x3FB6] =	sst s10  }
0x32: {  	s10 =	sld [smem:$0x3FB4];
	_ =	sdelay $0x3  }
0x33: {  	p0 =	seq.s32 s10, $0x1;
	s10 =	sld [smem:$0x3FB6];
	_ =	sdelay $0x3  }
0x34: {  	[smem:$0x3FB6] =	sst s10  }
0x35: {  	s10 =	sld [smem:$0x3FB5];
	_ =	sdelay $0x3  }
0x36: {  	p1 =	seq.s32 s10, $0x1;
	s10 =	sld [smem:$0x3FB6];
	_ =	sdelay $0x3  }
0x37: {  	[smem:$0x3FB6] =	sst s10  }
0x38: {  	s10 =	sld [smem:$0x3FB7]  }
0x39: {  	_ = 	snop;
	(pc) =	sbr.ind lr, $3  }
0x3a: {  	_ = 	snop  }
0x3b: {  	_ = 	snop  }
0x3c: {  	p2 =	seq.s32 s10, $0x1;
	s10 =	sld [smem:$0x3FB6]  }
0x3d: {  	_ =	shalt  }
0x3e: {  	_ =	shalt  }
0x3f: {  	_ =	shalt  }
0x40: {  	_ =	shalt  }
0x41: {  	_ =	shalt  }
0x42: {  	_ =	shalt  }
0x43: {  	_ =	shalt  }
0x44: {  	_ =	shalt  }
0x45: {  	_ =	shalt  }
0x46: {  	_ =	shalt  }
0x47: {  	_ =	shalt  }
0x48: {  	_ =	shalt  }
0x49: {  	_ =	shalt  }
0x4a: {  	_ =	shalt  }
0x4b: {  	_ =	shalt  }
0x4c: {  	_ =	shalt  }
0x4d: {  	_ =	shalt  }
0x4e: {  	_ =	shalt  }
0x4f: {  	_ =	shalt  }
0x50: {  	_ =	shalt  }
0x51: {  	_ =	shalt  }
0x52: {  	_ =	shalt  }
0x53: {  	_ =	shalt  }
0x54: {  	_ =	shalt  }
0x55: {  	_ =	shalt  }
0x56: {  	_ =	shalt  }
0x57: {  	_ =	shalt  }
0x58: {  	_ =	shalt  }
0x59: {  	_ =	shalt  }
0x5a: {  	_ =	shalt  }
0x5b: {  	_ =	shalt  }
0x5c: {  	_ =	shalt  }
0x5d: {  	_ =	shalt  }
0x5e: {  	_ =	shalt  }
0x5f: {  	_ =	shalt  }
0x60: {  	_ =	shalt  }
0x61: {  	_ =	shalt  }
0x62: {  	_ =	shalt  }
0x63: {  	_ =	shalt  }
0x64: {  	_ =	shalt  }
0x65: {  	_ =	shalt  }
0x66: {  	_ =	shalt  }
0x67: {  	_ =	shalt  }
0x68: {  	_ =	shalt  }
0x69: {  	_ =	shalt  }
0x6a: {  	_ =	shalt  }
0x6b: {  	_ =	shalt  }
0x6c: {  	_ =	shalt  }
0x6d: {  	_ =	shalt  }
0x6e: {  	_ =	shalt  }
0x6f: {  	_ =	shalt  }
0x70: {  	_ =	shalt  }
0x71: {  	_ =	shalt  }
0x72: {  	_ =	shalt  }
0x73: {  	_ =	shalt  }
0x74: {  	_ =	shalt  }
0x75: {  	_ =	shalt  }
0x76: {  	_ =	shalt  }
0x77: {  	_ =	shalt  }
0x78: {  	_ =	shalt  }
0x79: {  	_ =	shalt  }
0x7a: {  	_ =	shalt  }
0x7b: {  	_ =	shalt  }
0x7c: {  	_ =	shalt  }
0x7d: {  	_ =	shalt  }
0x7e: {  	_ =	shalt  }
0x7f: {  	_ =	shalt  }
0x80: {  	_ =	shalt  }
0x81: {  	_ =	shalt  }
0x82: {  	_ =	shalt  }
0x83: {  	_ =	shalt  }
0x84: {  	_ =	shalt  }
0x85: {  	_ =	shalt  }
0x86: {  	_ =	shalt  }
0x87: {  	_ =	shalt  }
.Lfunc_end0:
.L_simem_size_0:
called_computation.1_lowered:
.L_overlay_start_0:
0x88: {  	s2 =	sld [smem:$0x3FD9]  }
0x89: {  	s3 =	sld [smem:$0x3FFE];
	_ =	sdelay $0x1  }
0x8a: {  	s1 =	srdreg.scid  }
0x8b: {  	s0 =	sand.u32 $0x1, s1  }
0x8c: {  	s15 =	sshll.u32 s0, $0xA;
	s2 =	sadd.s32 s3, s2  }
0x8d: {  	s2 =	sadd.s32 s2, s15  }
0x8e: {  	[smem:$0x3FC2] =	sst s2  }
0x8f: {  	_ = 	snop  }
0x90: {  	s16 =	sld [smem:$0x3FD0];
	_ =	sdelay $0x2  }
0x91: {  	s4 =	simm.s32 $0xB;
	s5 =	simm.s32 $0x10;
	s2 =	sld [smem:$0x3FC8]  }
0x92: {  	[smem:s5], [sflag:s4] =	dma.local [hbm:s16], $0x1  }
0x93: {  	_ =	swait.eq [sflag:s4], $0x1  }
0x94: {  	[sflag:s4] =	ssyncset.done $0x0  }
0x95: {  	[sflag:s4] =	ssyncadd.s32 $0xFFFFFFFF  }
0x96: {  	s17 =	sld [smem:$0x11];
	(tm) =	ssettm $0x1  }
0x97: {  	s18 =	sld [smem:$0x3FFB];
	_ =	sdelay $0x3  }
0x98: {  	_ =	strace s18  }
0x99: {  	s3 =	sld [smem:$0x3FFC];
	_ =	sdelay $0x3  }
0x9a: {  	_ =	strace s3  }
0x9b: {  	s3 =	sld [smem:$0x3FFD];
	_ =	sdelay $0x3  }
0x9c: {  	_ =	strace s3  }
0x9d: {  	_ =	strace $0x8FFFFFFF  }
0x9e: {  	s19 =	sld [smem:$0x3FDB];
	_ =	sdelay $0x1  }
0x9f: {  	s20 =	simm.s32 $_scs_section_size  }
0xa0: {  	s6 =	simm.s32 $_size__tile_overlayer_lowered;
	s7 =	simm.s32 $_tile_overlayer_lowered  }
0xa1: {  	s8 =	simm.s32 $0x1BFF;
	s21 =	sshll.u32 s7, $0x1;
	s5 =	sadd.s32 s20, s19  }
0xa2: {  	s22 =	simm.s32 $0x0;
	s6 =	sshll.u32 s6, $0x1;
	s7 =	sadd.s32 s21, s5  }
0xa3: {  	[timem:s22], [sflag:s8] =	dma.local [hbm:s7], s6  }
0xa4: {  	_ =	swait.ge [sflag:s8], s6  }
0xa5: {  	s6 =	ssub.s32 $0x0, s6;
	[sflag:s8] =	ssyncset.done $0x0  }
0xa6: {  	[sflag:s8] =	ssyncadd.s32 s6;
	_ =	sdelay $0x1  }
0xa7: {  	s23 =	simm.s32 $0x1B8B  }
0xa8: {  	_ =	swait.ge [sflag:s23], $0x1  }
0xa9: {  	[sflag:s23] =	ssyncset.done $0x0  }
0xaa: {  	[sflag:s23] =	ssyncadd.s32 $0xFFFFFFFF  }
0xab: {  	s6 =	sld [smem:$0x0]  }
0xac: {  	s7 =	sand.u32 $0xFFFFFFFE, s1  }
0xad: {  	p0 =	sne.s32 s1, s7  }
0xae: {  	s7 =	sshll.u32 @p0 s7, $0xE  }
0xaf: {  	s7 =	sadd.s32 @p0 $0x11B8D, s7;
	s8 =	sshll.u32 @p0 s6, $0x11  }
0xb0: {  	s7 =	sor.u32 @p0 s8, s7  }
0xb1: {  	[sflag:s7] =	ssyncadd.remote.s32 @p0 $0x1;
	_ =	sdelay $0x1  }
0xb2: {  	s7 =	simm.s32 @p0 $0x1B8D  }
0xb3: {  	_ =	swait.eq @p0 [sflag:s7], $0x1  }
0xb4: {  	[sflag:s7] =	ssyncadd.s32 @p0 $0xFFFFFFFF  }
0xb5: {  	s8 =	sshll.u32 @!p0 s1, $0xE  }
0xb6: {  	s8 =	sor.u32 @!p0 $0x4000, s8;
	s7 =	simm.s32 @!p0 $0x1B8D  }
0xb7: {  	s6 =	sshll.u32 @!p0 s6, $0x11;
	s8 =	sadd.s32 @!p0 $0x11B8D, s8;
	_ =	swait.eq @!p0 [sflag:s7], $0x1  }
0xb8: {  	s6 =	sor.u32 @!p0 s6, s8;
	[sflag:s7] =	ssyncadd.s32 @!p0 $0xFFFFFFFF  }
0xb9: {  	s25 =	simm.s32 $0x1B8E;
	s24 =	sld [smem:$0x3FFE];
	[sflag:s6] =	ssyncadd.remote.s32 @!p0 $0x1  }
0xba: {  	s26 =	simm.s32 $execute0_lowered;
	[smem:$0x3FD2] =	sst s25  }
0xbb: {  	s7 =	sshll.u32 s26, $0x1;
	_ =	strace $0x80000049;
	[dreg:$0x1] =	wrdreg $0xFFFFFFFF  }
0xbc: {  	s28 =	simm.s32 $_size_execute0_lowered;
	s5 =	sadd.s32 s5, s7;
	[dreg:$0x0] =	wrdreg $0x0  }
0xbd: {  	s7 =	sshll.u32 s28, $0x1;
	[dreg:$0x2] =	wrdreg s5  }
0xbe: {  	[dreg:$0x3] =	wrdreg s7  }
0xbf: {  	[dreg:$0x4] =	wrdreg $0xC0  }
0xc0: {  	_ =	task [dreg:s22], $0x5FFFF  }
0xc1: {  	[dreg:$0x1] =	wrdreg $0xFFFFFFFF  }
0xc2: {  	[dreg:$0x0] =	wrdreg $0x60  }
0xc3: {  	[dreg:$0x2] =	wrdreg s24  }
0xc4: {  	[dreg:$0x3] =	wrdreg s2  }
0xc5: {  	[dreg:$0x4] =	wrdreg s17  }
0xc6: {  	[dreg:$0x5] =	wrdreg $0xA  }
0xc7: {  	_ =	task.clear_ibuf [dreg:s22], $0x6FFFF;
	_ =	strace $0x90000049  }
0xc8: {  	s29 =	simm.s32 $0xA;
	_ =	strace $0x8000004B  }
0xc9: {  	_ =	swait.ge [sflag:s29], $0x1  }
0xca: {  	[sflag:s29] =	ssyncadd.s32 $0xFFFFFFFF  }
0xcb: {  	_ =	strace $0x9000004B  }
0xcc: {  	_ =	sfence  }
0xcd: {  	s30 =	sld [smem:$0x0];
	_ =	sdelay $0x2  }
0xce: {  	s31 =	sshll.u32 s1, $0xD;
	s1 =	sshrl.u32 s1, $0x2  }
0xcf: {  	s4 =	sand.u32 $0x4000, s31;
	s1 =	sadd.s32 s1, s30  }
0xd0: {  	s0 =	sor.u32 s4, s0;
	s1 =	sshll.u32 s1, $0x11  }
0xd1: {  	s0 =	sor.u32 s1, s0  }
0xd2: {  	s0 =	sadd.s32 $0x8F2B, s0  }
0xd3: {  	[sflag:s0] =	ssyncadd.remote.s32 $0x1  }
0xd4: {  	_ =	sfence.sel $0xFFFF  }
0xd5: {  	[dreg:$0x0] =	wrdreg $0xFFFFFFFF;
	(pc) =	sbr.abs _section_cstart, $3  }
0xd6: {  	[dreg:$0x1] =	wrdreg $0xFFFFFFFF  }
0xd7: {  	_ =	task.clear_ibuf [dreg:s22], $0x2FFFF;
	_ =	strace $0x9FFFFFFF  }
0xd8: {  	(tm) =	ssettm $0x7FFFFFFF  }
0xd9: {  	_ =	shalt  }
tec
execute0_lowered:
.L_overlay_start_1:
0x0: {  	(tag) =	ssettag $0x1  }
0x1: {  	s6 =	rddreg [dreg:$0x0]  }
0x2: {  	s2 =	rddreg [dreg:$0x1];
	s1 =	srdreg.scid  }
0x3: {  	s0 =	stileid.u32;
	s9 =	rddreg [dreg:$0x2]  }
0x4: {  	s14 =	simm.s32 $0x200;
	s15 =	simm.s32 $0xA00;
	s16 =	simm.s32 $0x1200  }
0x5: {  	s17 =	simm.s32 $0x1A00;
	s18 =	simm.s32 $0x2200;
	s19 =	simm.s32 $0x2A00  }
0x6: {  	s20 =	simm.s32 $0x3200;
	s21 =	simm.s32 $0x3A00;
	s22 =	simm.s32 $0x4200  }
0x7: {  	s23 =	simm.s32 $0x4A00;
	s24 =	simm.s32 $0x5200;
	s25 =	simm.s32 $0x5A00  }
0x8: {  	s26 =	simm.s32 $0x1;
	s4 =	sand.u32 $0x1, s1;
	s3 =	sshll.u32 s0, $0x1  }
0x9: {  	s1 =	rddreg [dreg:$0x3];
	s5 =	sor.u32 s4, s3;
	s3 =	simm.s32 $0x0  }
0xa: {  	s4 =	ssub.s32 $0x2, s4;
	s7 =	smul.u32 $0x120, s5;
	[smem:$0x7FF] =	sst s3  }
0xb: {  	s8 =	sshrl.u32 s4, $0x1;
	s13 =	smul.u32 $0x2400, s5;
	_ =	strace $0x8000004A  }
0xc: {  	s10 =	ssub.s32 s4, s8;
	s29 =	sshrl.u32 s7, $0x3;
	s30 =	sadd.s32 $0x60, s7  }
0xd: {  	s11 =	sadd.s32 $0xC0, s7;
	s7 =	sadd.s32 s9, s13;
	s10 =	smax.u32 s10, $0x1  }
0xe: {  	s13 =	simm.s32 $0x100;
	s4 =	sadd.s32 s6, s29;
	s31 =	sshrl.u32 s30, $0x3  }
0xf: {  	v2 =	vlaneseq.u32;
	s12 =	sshrl.u32 s11, $0x3;
	s8 =	sshll.u32 s30, $0x5;
	s11 =	sshll.u32 s11, $0x5  }
0x10: {  	vm0 =	vmmov $0xffff;
	v1 =	vshrl.u32 v2, $0x3;
	s5 =	sadd.s32 s6, s31;
	s6 =	sadd.s32 s6, s12;
	s8 =	sadd.s32 s9, s8  }
0x11: {  	v0 =	vand.u32 $0x7, v2;
	v2 =	vor.u32 $0x8, v2;
	v1 =	vmul.u32 $0x8, v1;
	s9 =	sadd.s32 s9, s11;
	s11 =	simm.s32 $0x2;
	s12 =	simm.s32 $0x80  }
.LBB2_1:
0x12: {  	[tilespmem:s3], [sflag:$0x2] =	stream.linear.gather [hbm4b:s4+s3], $0x60, $0x38;
	[tilespmem:$0x6200] =	vst v63  }
0x13: {  	_ =	swait.ge [sflag:s11], $0x60  }
0x14: {  	[sflag:s11] =	ssyncset.done $0x0  }
0x15: {  	[sflag:s11] =	ssyncadd.s32 $0xFFFFFFA0  }
0x16: {  	[tilespmem:s12], [sflag:$0x2] =	stream.linear.gather [hbm4b:s5+s3], $0x60, $0x38;
	[tilespmem:$0x6200] =	vst v63  }
0x17: {  	_ =	swait.ge [sflag:s11], $0x60  }
0x18: {  	[sflag:s11] =	ssyncset.done $0x0  }
0x19: {  	[sflag:s11] =	ssyncadd.s32 $0xFFFFFFA0  }
0x1a: {  	[tilespmem:s13], [sflag:$0x2] =	stream.linear.gather [hbm4b:s6+s3], $0x60, $0x38;
	[tilespmem:$0x6200] =	vst v63  }
0x1b: {  	_ =	swait.ge [sflag:s11], $0x60  }
0x1c: {  	[sflag:s11] =	ssyncset.done $0x0  }
0x1d: {  	[sflag:s11] =	ssyncadd.s32 $0xFFFFFFA0  }
0x1e: {  	v3 =	vld [tilespmem:$0x0];
	_ =	sdelay $0x4  }
0x1f: {  	v4 =	vshll.u32 v3, $0x1  }
0x20: {  	v3 =	vand.u32 $0x7, v3;
	v4 =	vand.u32 $0xFFFFFFF0, v4  }
0x21: {  	v3 =	vor.u32 v3, v4  }
0x22: {  	v4 =	vperm.xlane v3, v0;
	_ =	sdelay $0x1  }
0x23: {  	v3 =	vperm.xlane v3, v2;
	v4 =	vadd.s32 v1, v4;
	_ =	sdelay $0x1  }
0x24: {  	v3 =	vadd.s32 v1, v3;
	_ =	sdelay $0x2  }
0x25: {  	[tilespmem:s14], [sflag:$0x1] =	stream.indirect_vreg.gather [hbm4b:s2+s3], $0x80, v4, vm0, $0xb8;
	[tilespmem:$0x6200] =	vst v63  }
0x26: {  	_ = 	snop  }
0x27: {  	[tilespmem:s15], [sflag:$0x1] =	stream.indirect_vreg.gather [hbm4b:s2+s3], $0x80, v3, vm0, $0xb8;
	[tilespmem:$0x6200] =	vst v63  }
0x28: {  	v3 =	vld [tilespmem:$0x10];
	_ =	sdelay $0x4  }
0x29: {  	v47 =	vshll.u32 v3, $0x1  }
0x2a: {  	v3 =	vand.u32 $0x7, v3;
	v4 =	vand.u32 $0xFFFFFFF0, v47  }
0x2b: {  	v3 =	vor.u32 v3, v4  }
0x2c: {  	v4 =	vperm.xlane v3, v0;
	_ =	sdelay $0x1  }
0x2d: {  	v3 =	vperm.xlane v3, v2;
	v4 =	vadd.s32 v1, v4;
	_ =	sdelay $0x1  }
0x2e: {  	v3 =	vadd.s32 v1, v3;
	_ =	sdelay $0x2  }
0x2f: {  	[tilespmem:s16], [sflag:$0x1] =	stream.indirect_vreg.gather [hbm4b:s2+s3], $0x80, v4, vm0, $0xb8;
	[tilespmem:$0x6200] =	vst v63  }
0x30: {  	_ = 	snop  }
0x31: {  	[tilespmem:s17], [sflag:$0x1] =	stream.indirect_vreg.gather [hbm4b:s2+s3], $0x80, v3, vm0, $0xb8;
	[tilespmem:$0x6200] =	vst v63  }
0x32: {  	v3 =	vld [tilespmem:$0x20];
	_ =	sdelay $0x4  }
0x33: {  	v48 =	vshll.u32 v3, $0x1  }
0x34: {  	v3 =	vand.u32 $0x7, v3;
	v4 =	vand.u32 $0xFFFFFFF0, v48  }
0x35: {  	v3 =	vor.u32 v3, v4  }
0x36: {  	v4 =	vperm.xlane v3, v0;
	_ =	sdelay $0x1  }
0x37: {  	v3 =	vperm.xlane v3, v2;
	v4 =	vadd.s32 v1, v4;
	_ =	sdelay $0x1  }
0x38: {  	v3 =	vadd.s32 v1, v3;
	_ =	sdelay $0x2  }
0x39: {  	[tilespmem:s18], [sflag:$0x1] =	stream.indirect_vreg.gather [hbm4b:s2+s3], $0x80, v4, vm0, $0xb8;
	[tilespmem:$0x6200] =	vst v63  }
0x3a: {  	_ = 	snop  }
0x3b: {  	[tilespmem:s19], [sflag:$0x1] =	stream.indirect_vreg.gather [hbm4b:s2+s3], $0x80, v3, vm0, $0xb8;
	[tilespmem:$0x6200] =	vst v63  }
0x3c: {  	v3 =	vld [tilespmem:$0x30];
	_ =	sdelay $0x4  }
0x3d: {  	v49 =	vshll.u32 v3, $0x1  }
0x3e: {  	v3 =	vand.u32 $0x7, v3;
	v4 =	vand.u32 $0xFFFFFFF0, v49  }
0x3f: {  	v3 =	vor.u32 v3, v4  }
0x40: {  	v4 =	vperm.xlane v3, v0;
	_ =	sdelay $0x1  }
0x41: {  	v3 =	vperm.xlane v3, v2;
	v4 =	vadd.s32 v1, v4;
	_ =	sdelay $0x1  }
0x42: {  	v3 =	vadd.s32 v1, v3;
	_ =	sdelay $0x2  }
0x43: {  	[tilespmem:s20], [sflag:$0x1] =	stream.indirect_vreg.gather [hbm4b:s2+s3], $0x80, v4, vm0, $0xb8;
	[tilespmem:$0x6200] =	vst v63  }
0x44: {  	_ = 	snop  }
0x45: {  	[tilespmem:s21], [sflag:$0x1] =	stream.indirect_vreg.gather [hbm4b:s2+s3], $0x80, v3, vm0, $0xb8;
	[tilespmem:$0x6200] =	vst v63  }
0x46: {  	v3 =	vld [tilespmem:$0x40];
	_ =	sdelay $0x4  }
0x47: {  	v50 =	vshll.u32 v3, $0x1  }
0x48: {  	v3 =	vand.u32 $0x7, v3;
	v4 =	vand.u32 $0xFFFFFFF0, v50  }
0x49: {  	v3 =	vor.u32 v3, v4  }
0x4a: {  	v4 =	vperm.xlane v3, v0;
	_ =	sdelay $0x1  }
0x4b: {  	v3 =	vperm.xlane v3, v2;
	v4 =	vadd.s32 v1, v4;
	_ =	sdelay $0x1  }
0x4c: {  	v3 =	vadd.s32 v1, v3;
	_ =	sdelay $0x2  }
0x4d: {  	[tilespmem:s22], [sflag:$0x1] =	stream.indirect_vreg.gather [hbm4b:s2+s3], $0x80, v4, vm0, $0xb8;
	[tilespmem:$0x6200] =	vst v63  }
0x4e: {  	_ = 	snop  }
0x4f: {  	[tilespmem:s23], [sflag:$0x1] =	stream.indirect_vreg.gather [hbm4b:s2+s3], $0x80, v3, vm0, $0xb8;
	[tilespmem:$0x6200] =	vst v63  }
0x50: {  	v3 =	vld [tilespmem:$0x50];
	_ =	sdelay $0x4  }
0x51: {  	v51 =	vshll.u32 v3, $0x1  }
0x52: {  	v3 =	vand.u32 $0x7, v3;
	v4 =	vand.u32 $0xFFFFFFF0, v51  }
0x53: {  	v3 =	vor.u32 v3, v4  }
0x54: {  	v4 =	vperm.xlane v3, v0;
	_ =	sdelay $0x1  }
0x55: {  	v3 =	vperm.xlane v3, v2;
	v4 =	vadd.s32 v1, v4;
	_ =	sdelay $0x1  }
0x56: {  	v3 =	vadd.s32 v1, v3;
	_ =	sdelay $0x2  }
0x57: {  	[tilespmem:s24], [sflag:$0x1] =	stream.indirect_vreg.gather [hbm4b:s2+s3], $0x80, v4, vm0, $0xb8;
	[tilespmem:$0x6200] =	vst v63  }
0x58: {  	_ = 	snop  }
0x59: {  	[tilespmem:s25], [sflag:$0x1] =	stream.indirect_vreg.gather [hbm4b:s2+s3], $0x80, v3, vm0, $0xb8;
	[tilespmem:$0x6200] =	vst v63  }
0x5a: {  	_ =	swait.ge [sflag:s26], $0x6000  }
0x5b: {  	[sflag:s26] =	ssyncset.done $0x0  }
0x5c: {  	[sflag:s26] =	ssyncadd.s32 $0xFFFFA000  }
0x5d: {  	[hbm4b:s7+s3] =	stream.linear.scatter [tilespmem:s14], [sflag:$0x2], $0x6000, $0x38;
	[tilespmem:$0x6200] =	vst v63  }
0x5e: {  	_ =	swait.ge [sflag:s11], $0x6000  }
0x5f: {  	[sflag:s11] =	ssyncset.done $0x0  }
0x60: {  	[sflag:s11] =	ssyncadd.s32 $0xFFFFA000  }
0x61: {  	v3 =	vld [tilespmem:$0x80];
	_ =	sdelay $0x4  }
0x62: {  	v52 =	vshll.u32 v3, $0x1  }
0x63: {  	v3 =	vand.u32 $0x7, v3;
	v4 =	vand.u32 $0xFFFFFFF0, v52  }
0x64: {  	v3 =	vor.u32 v3, v4  }
0x65: {  	v4 =	vperm.xlane v3, v0;
	_ =	sdelay $0x1  }
0x66: {  	v3 =	vperm.xlane v3, v2;
	v4 =	vadd.s32 v1, v4;
	_ =	sdelay $0x1  }
0x67: {  	v3 =	vadd.s32 v1, v3;
	_ =	sdelay $0x2  }
0x68: {  	[tilespmem:s14], [sflag:$0x1] =	stream.indirect_vreg.gather [hbm4b:s2+s3], $0x80, v4, vm0, $0xb8;
	[tilespmem:$0x6200] =	vst v63  }
0x69: {  	_ = 	snop  }
0x6a: {  	[tilespmem:s15], [sflag:$0x1] =	stream.indirect_vreg.gather [hbm4b:s2+s3], $0x80, v3, vm0, $0xb8;
	[tilespmem:$0x6200] =	vst v63  }
0x6b: {  	v3 =	vld [tilespmem:$0x90];
	_ =	sdelay $0x4  }
0x6c: {  	v53 =	vshll.u32 v3, $0x1  }
0x6d: {  	v3 =	vand.u32 $0x7, v3;
	v4 =	vand.u32 $0xFFFFFFF0, v53  }
0x6e: {  	v3 =	vor.u32 v3, v4  }
0x6f: {  	v4 =	vperm.xlane v3, v0;
	_ =	sdelay $0x1  }
0x70: {  	v3 =	vperm.xlane v3, v2;
	v4 =	vadd.s32 v1, v4;
	_ =	sdelay $0x1  }
0x71: {  	v3 =	vadd.s32 v1, v3;
	_ =	sdelay $0x2  }
0x72: {  	[tilespmem:s16], [sflag:$0x1] =	stream.indirect_vreg.gather [hbm4b:s2+s3], $0x80, v4, vm0, $0xb8;
	[tilespmem:$0x6200] =	vst v63  }
0x73: {  	_ = 	snop  }
0x74: {  	[tilespmem:s17], [sflag:$0x1] =	stream.indirect_vreg.gather [hbm4b:s2+s3], $0x80, v3, vm0, $0xb8;
	[tilespmem:$0x6200] =	vst v63  }
0x75: {  	v3 =	vld [tilespmem:$0xA0];
	_ =	sdelay $0x4  }
0x76: {  	v54 =	vshll.u32 v3, $0x1  }
0x77: {  	v3 =	vand.u32 $0x7, v3;
	v4 =	vand.u32 $0xFFFFFFF0, v54  }
0x78: {  	v3 =	vor.u32 v3, v4  }
0x79: {  	v4 =	vperm.xlane v3, v0;
	_ =	sdelay $0x1  }
0x7a: {  	v3 =	vperm.xlane v3, v2;
	v4 =	vadd.s32 v1, v4;
	_ =	sdelay $0x1  }
0x7b: {  	v3 =	vadd.s32 v1, v3;
	_ =	sdelay $0x2  }
0x7c: {  	[tilespmem:s18], [sflag:$0x1] =	stream.indirect_vreg.gather [hbm4b:s2+s3], $0x80, v4, vm0, $0xb8;
	[tilespmem:$0x6200] =	vst v63  }
0x7d: {  	_ = 	snop  }
0x7e: {  	[tilespmem:s19], [sflag:$0x1] =	stream.indirect_vreg.gather [hbm4b:s2+s3], $0x80, v3, vm0, $0xb8;
	[tilespmem:$0x6200] =	vst v63  }
0x7f: {  	v3 =	vld [tilespmem:$0xB0];
	_ =	sdelay $0x4  }
0x80: {  	v55 =	vshll.u32 v3, $0x1  }
0x81: {  	v3 =	vand.u32 $0x7, v3;
	v4 =	vand.u32 $0xFFFFFFF0, v55  }
0x82: {  	v3 =	vor.u32 v3, v4  }
0x83: {  	v4 =	vperm.xlane v3, v0;
	_ =	sdelay $0x1  }
0x84: {  	v3 =	vperm.xlane v3, v2;
	v4 =	vadd.s32 v1, v4;
	_ =	sdelay $0x1  }
0x85: {  	v3 =	vadd.s32 v1, v3;
	_ =	sdelay $0x2  }
0x86: {  	[tilespmem:s20], [sflag:$0x1] =	stream.indirect_vreg.gather [hbm4b:s2+s3], $0x80, v4, vm0, $0xb8;
	[tilespmem:$0x6200] =	vst v63  }
0x87: {  	_ = 	snop  }
0x88: {  	[tilespmem:s21], [sflag:$0x1] =	stream.indirect_vreg.gather [hbm4b:s2+s3], $0x80, v3, vm0, $0xb8;
	[tilespmem:$0x6200] =	vst v63  }
0x89: {  	v3 =	vld [tilespmem:$0xC0];
	_ =	sdelay $0x4  }
0x8a: {  	v56 =	vshll.u32 v3, $0x1  }
0x8b: {  	v3 =	vand.u32 $0x7, v3;
	v4 =	vand.u32 $0xFFFFFFF0, v56  }
0x8c: {  	v3 =	vor.u32 v3, v4  }
0x8d: {  	v4 =	vperm.xlane v3, v0;
	_ =	sdelay $0x1  }
0x8e: {  	v3 =	vperm.xlane v3, v2;
	v4 =	vadd.s32 v1, v4;
	_ =	sdelay $0x1  }
0x8f: {  	v3 =	vadd.s32 v1, v3;
	_ =	sdelay $0x2  }
0x90: {  	[tilespmem:s22], [sflag:$0x1] =	stream.indirect_vreg.gather [hbm4b:s2+s3], $0x80, v4, vm0, $0xb8;
	[tilespmem:$0x6200] =	vst v63  }
0x91: {  	_ = 	snop  }
0x92: {  	[tilespmem:s23], [sflag:$0x1] =	stream.indirect_vreg.gather [hbm4b:s2+s3], $0x80, v3, vm0, $0xb8;
	[tilespmem:$0x6200] =	vst v63  }
0x93: {  	v3 =	vld [tilespmem:$0xD0];
	_ =	sdelay $0x4  }
0x94: {  	v57 =	vshll.u32 v3, $0x1  }
0x95: {  	v3 =	vand.u32 $0x7, v3;
	v4 =	vand.u32 $0xFFFFFFF0, v57  }
0x96: {  	v3 =	vor.u32 v3, v4  }
0x97: {  	v4 =	vperm.xlane v3, v0;
	_ =	sdelay $0x1  }
0x98: {  	v3 =	vperm.xlane v3, v2;
	v4 =	vadd.s32 v1, v4;
	_ =	sdelay $0x1  }
0x99: {  	v3 =	vadd.s32 v1, v3;
	_ =	sdelay $0x2  }
0x9a: {  	[tilespmem:s24], [sflag:$0x1] =	stream.indirect_vreg.gather [hbm4b:s2+s3], $0x80, v4, vm0, $0xb8;
	[tilespmem:$0x6200] =	vst v63  }
0x9b: {  	_ = 	snop  }
0x9c: {  	[tilespmem:s25], [sflag:$0x1] =	stream.indirect_vreg.gather [hbm4b:s2+s3], $0x80, v3, vm0, $0xb8;
	[tilespmem:$0x6200] =	vst v63  }
0x9d: {  	_ =	swait.ge [sflag:s26], $0x6000  }
0x9e: {  	[sflag:s26] =	ssyncset.done $0x0  }
0x9f: {  	[sflag:s26] =	ssyncadd.s32 $0xFFFFA000  }
0xa0: {  	[hbm4b:s8+s3] =	stream.linear.scatter [tilespmem:s14], [sflag:$0x2], $0x6000, $0x38;
	[tilespmem:$0x6200] =	vst v63  }
0xa1: {  	_ =	swait.ge [sflag:s11], $0x6000  }
0xa2: {  	[sflag:s11] =	ssyncset.done $0x0  }
0xa3: {  	[sflag:s11] =	ssyncadd.s32 $0xFFFFA000  }
0xa4: {  	v3 =	vld [tilespmem:$0x100];
	_ =	sdelay $0x4  }
0xa5: {  	v58 =	vshll.u32 v3, $0x1  }
0xa6: {  	v3 =	vand.u32 $0x7, v3;
	v4 =	vand.u32 $0xFFFFFFF0, v58  }
0xa7: {  	v3 =	vor.u32 v3, v4  }
0xa8: {  	v4 =	vperm.xlane v3, v0;
	_ =	sdelay $0x1  }
0xa9: {  	v3 =	vperm.xlane v3, v2;
	v4 =	vadd.s32 v1, v4;
	_ =	sdelay $0x1  }
0xaa: {  	v3 =	vadd.s32 v1, v3;
	_ =	sdelay $0x2  }
0xab: {  	[tilespmem:s14], [sflag:$0x1] =	stream.indirect_vreg.gather [hbm4b:s2+s3], $0x80, v4, vm0, $0xb8;
	[tilespmem:$0x6200] =	vst v63  }
0xac: {  	_ = 	snop  }
0xad: {  	[tilespmem:s15], [sflag:$0x1] =	stream.indirect_vreg.gather [hbm4b:s2+s3], $0x80, v3, vm0, $0xb8;
	[tilespmem:$0x6200] =	vst v63  }
0xae: {  	v3 =	vld [tilespmem:$0x110];
	_ =	sdelay $0x4  }
0xaf: {  	v59 =	vshll.u32 v3, $0x1  }
0xb0: {  	v3 =	vand.u32 $0x7, v3;
	v4 =	vand.u32 $0xFFFFFFF0, v59  }
0xb1: {  	v3 =	vor.u32 v3, v4  }
0xb2: {  	v4 =	vperm.xlane v3, v0;
	_ =	sdelay $0x1  }
0xb3: {  	v3 =	vperm.xlane v3, v2;
	v4 =	vadd.s32 v1, v4;
	_ =	sdelay $0x1  }
0xb4: {  	v3 =	vadd.s32 v1, v3;
	_ =	sdelay $0x2  }
0xb5: {  	[tilespmem:s16], [sflag:$0x1] =	stream.indirect_vreg.gather [hbm4b:s2+s3], $0x80, v4, vm0, $0xb8;
	[tilespmem:$0x6200] =	vst v63  }
0xb6: {  	_ = 	snop  }
0xb7: {  	[tilespmem:s17], [sflag:$0x1] =	stream.indirect_vreg.gather [hbm4b:s2+s3], $0x80, v3, vm0, $0xb8;
	[tilespmem:$0x6200] =	vst v63  }
0xb8: {  	v3 =	vld [tilespmem:$0x120];
	_ =	sdelay $0x4  }
0xb9: {  	v60 =	vshll.u32 v3, $0x1  }
0xba: {  	v3 =	vand.u32 $0x7, v3;
	v4 =	vand.u32 $0xFFFFFFF0, v60  }
0xbb: {  	v3 =	vor.u32 v3, v4  }
0xbc: {  	v4 =	vperm.xlane v3, v0;
	_ =	sdelay $0x1  }
0xbd: {  	v3 =	vperm.xlane v3, v2;
	v4 =	vadd.s32 v1, v4;
	_ =	sdelay $0x1  }
0xbe: {  	v3 =	vadd.s32 v1, v3;
	_ =	sdelay $0x2  }
0xbf: {  	[tilespmem:s18], [sflag:$0x1] =	stream.indirect_vreg.gather [hbm4b:s2+s3], $0x80, v4, vm0, $0xb8;
	[tilespmem:$0x6200] =	vst v63  }
0xc0: {  	_ = 	snop  }
0xc1: {  	[tilespmem:s19], [sflag:$0x1] =	stream.indirect_vreg.gather [hbm4b:s2+s3], $0x80, v3, vm0, $0xb8;
	[tilespmem:$0x6200] =	vst v63  }
0xc2: {  	v3 =	vld [tilespmem:$0x130];
	_ =	sdelay $0x4  }
0xc3: {  	v61 =	vshll.u32 v3, $0x1  }
0xc4: {  	v3 =	vand.u32 $0x7, v3;
	v4 =	vand.u32 $0xFFFFFFF0, v61  }
0xc5: {  	v3 =	vor.u32 v3, v4  }
0xc6: {  	v4 =	vperm.xlane v3, v0;
	_ =	sdelay $0x1  }
0xc7: {  	v3 =	vperm.xlane v3, v2;
	v4 =	vadd.s32 v1, v4;
	_ =	sdelay $0x1  }
0xc8: {  	v3 =	vadd.s32 v1, v3;
	_ =	sdelay $0x2  }
0xc9: {  	[tilespmem:s20], [sflag:$0x1] =	stream.indirect_vreg.gather [hbm4b:s2+s3], $0x80, v4, vm0, $0xb8;
	[tilespmem:$0x6200] =	vst v63  }
0xca: {  	_ = 	snop  }
0xcb: {  	[tilespmem:s21], [sflag:$0x1] =	stream.indirect_vreg.gather [hbm4b:s2+s3], $0x80, v3, vm0, $0xb8;
	[tilespmem:$0x6200] =	vst v63  }
0xcc: {  	v3 =	vld [tilespmem:$0x140];
	_ =	sdelay $0x4  }
0xcd: {  	v62 =	vshll.u32 v3, $0x1  }
0xce: {  	v3 =	vand.u32 $0x7, v3;
	v4 =	vand.u32 $0xFFFFFFF0, v62  }
0xcf: {  	v3 =	vor.u32 v3, v4  }
0xd0: {  	v4 =	vperm.xlane v3, v0;
	_ =	sdelay $0x1  }
0xd1: {  	v3 =	vperm.xlane v3, v2;
	v4 =	vadd.s32 v1, v4;
	_ =	sdelay $0x1  }
0xd2: {  	v3 =	vadd.s32 v1, v3;
	_ =	sdelay $0x2  }
0xd3: {  	[tilespmem:s22], [sflag:$0x1] =	stream.indirect_vreg.gather [hbm4b:s2+s3], $0x80, v4, vm0, $0xb8;
	[tilespmem:$0x6200] =	vst v63  }
0xd4: {  	_ = 	snop  }
0xd5: {  	[tilespmem:s23], [sflag:$0x1] =	stream.indirect_vreg.gather [hbm4b:s2+s3], $0x80, v3, vm0, $0xb8;
	[tilespmem:$0x6200] =	vst v63  }
0xd6: {  	v3 =	vld [tilespmem:$0x150];
	_ =	sdelay $0x4  }
0xd7: {  	v63 =	vshll.u32 v3, $0x1  }
0xd8: {  	v3 =	vand.u32 $0x7, v3;
	v4 =	vand.u32 $0xFFFFFFF0, v63  }
0xd9: {  	v3 =	vor.u32 v3, v4  }
0xda: {  	v4 =	vperm.xlane v3, v0;
	_ =	sdelay $0x1  }
0xdb: {  	v3 =	vperm.xlane v3, v2;
	v4 =	vadd.s32 v1, v4;
	_ =	sdelay $0x1  }
0xdc: {  	v3 =	vadd.s32 v1, v3;
	_ =	sdelay $0x2  }
0xdd: {  	[tilespmem:s24], [sflag:$0x1] =	stream.indirect_vreg.gather [hbm4b:s2+s3], $0x80, v4, vm0, $0xb8;
	[tilespmem:$0x6200] =	vst v63  }
0xde: {  	_ = 	snop  }
0xdf: {  	[tilespmem:s25], [sflag:$0x1] =	stream.indirect_vreg.gather [hbm4b:s2+s3], $0x80, v3, vm0, $0xb8;
	[tilespmem:$0x6200] =	vst v63  }
0xe0: {  	_ =	swait.ge [sflag:s26], $0x6000  }
0xe1: {  	p0 =	sne.s32 s10, $0x1;
	[sflag:s26] =	ssyncset.done $0x0  }
.Ltmp0:
0xe2: {  	[sflag:s26] =	ssyncadd.s32 $0xFFFFA000;
	(pc) =	sbr.rel @p0 .LBB2_1-.Ltmp0, $4  }
0xe3: {  	[hbm4b:s9+s3] =	stream.linear.scatter [tilespmem:s14], [sflag:$0x2], $0x6000, $0x38;
	[tilespmem:$0x6200] =	vst v63  }
0xe4: {  	_ =	swait.ge [sflag:s11], $0x6000  }
0xe5: {  	[sflag:s11] =	ssyncset.done $0x0  }
0xe6: {  	s10 =	sadd.s32 $0xFFFFFFFF, s10;
	[sflag:s11] =	ssyncadd.s32 $0xFFFFA000  }
0xe7: {  	_ =	sfence.sel $0x180000  }
0xe8: {  	[bflag:$0x0] =	sbarrier.arrive $0xFFFF  }
0xe9: {  	p0 =	sne.s32 s0, $0x0;
	_ =	strace $0x9000004A  }
0xea: {  	s0 =	sadd.s32 @!p0 $0x100000, s1;
	[bflag:$0x2] =	sbarrier.arrive $0xFFFF  }
0xeb: {  	[sflag:s0] =	ssyncadd.tile.s32 @!p0 $0x1;
	_ =	shalt  }
.Lfunc_end2:
_tile_overlayer_lowered:
.L_overlay_start_2:
0xec: {  	(tag) =	ssettag $0x2  }
0xed: {  	s0 =	rddreg [dreg:$0x0];
	s2 =	stileid.u32  }
0xee: {  	s1 =	rddreg [dreg:$0x1];
	p0 =	sne.s32 s2, $0x0  }
0xef: {  	s3 =	rddreg [dreg:$0x2];
	[bflag:$0x3] =	sbarrier.arrive $0xFFFF;
	s2 =	simm.s32 @!p0 $0x1C02  }
0xf0: {  	[timem:s3], [sflag:s2] =	dma.local @!p0 [hbm:s0], s1  }
0xf1: {  	s0 =	simm.s32 @!p0 $0x2  }
0xf2: {  	_ =	swait.ge @!p0 [sflag:s0], s1  }
0xf3: {  	s1 =	ssub.s32 @!p0 $0x0, s1;
	[sflag:s0] =	ssyncset.done @!p0 $0x0  }
0xf4: {  	[sflag:s0] =	ssyncadd.s32 @!p0 s1  }
0xf5: {  	[bflag:$0x3] =	sbarrier.arrive $0xFFFF  }
0xf6: {  	_ =	shalt  }

</sc_bundles>
